<compile_context>
chip_gen: v7x
topology: tpu7x:2x2x1
jax: 0.10.2.dev20260603
libtpu: 0.0.44.dev20260713+nightly
codegen_flags: <defaults>
</compile_context>

<pallas_src>
import functools

import jax
import jax.numpy as jnp
from jax import lax
from jax.experimental import pallas as pl
from jax.experimental.pallas import tpu as pltpu
from jax.experimental.pallas import tpu_sc as plsc

_BETA = 1.0
_TEMPERATURE = 0.07
_K = 8
_BIAS_VAL = _BETA / _TEMPERATURE

_NW = 32
_ZCH = 65536


def _topk_idx_kernel(c_ref, mT_ref, arows_ref, idx_ref, *, R, M):
    c = c_ref[0:1, :]
    gx = -2.0 * mT_ref[0:1, :]
    gy = -2.0 * mT_ref[1:2, :]
    gz = -2.0 * mT_ref[2:3, :]
    a0 = arows_ref[:, 0:1]
    a1 = arows_ref[:, 1:2]
    a2 = arows_ref[:, 2:3]
    S = c + a0 * gx + a1 * gy + a2 * gz

    NCOL = M // 128
    cols = [S[:, k * 128:(k + 1) * 128] for k in range(NCOL)]
    INF = jnp.float32(jnp.inf)

    m0 = cols[0]
    k0 = jnp.zeros_like(m0, dtype=jnp.int32)
    m1 = jnp.full_like(m0, INF)
    m2 = m1
    m3 = m1
    k1 = k0
    k2 = k0
    k3 = k0
    for k in range(1, NCOL):
        v = cols[k]
        kv = jnp.full_like(k0, k)
        cnd = v < m0
        dv = jnp.where(cnd, m0, v)
        dk = jnp.where(cnd, k0, kv)
        m0 = jnp.where(cnd, v, m0)
        k0 = jnp.where(cnd, kv, k0)
        cnd = dv < m1
        dv2 = jnp.where(cnd, m1, dv)
        dk2 = jnp.where(cnd, k1, dk)
        m1 = jnp.where(cnd, dv, m1)
        k1 = jnp.where(cnd, dk, k1)
        cnd = dv2 < m2
        dv3 = jnp.where(cnd, m2, dv2)
        dk3 = jnp.where(cnd, k2, dk2)
        m2 = jnp.where(cnd, dv2, m2)
        k2 = jnp.where(cnd, dk2, k2)
        cnd = dv3 < m3
        m3 = jnp.where(cnd, dv3, m3)
        k3 = jnp.where(cnd, dk3, k3)

    lane = jax.lax.broadcasted_iota(jnp.int32, (R, 128), 1)
    BIG = jnp.int32(1 << 28)
    cur = m0
    cnt = jnp.zeros_like(k0)
    for t in range(_K):
        tau = jnp.min(cur, axis=1, keepdims=True)
        hit = cur == tau
        hl = jnp.min(jnp.where(hit, lane, 128), axis=1, keepdims=True)
        hit1 = lane == hl
        ksel = jnp.where(cnt == 0, k0,
                         jnp.where(cnt == 1, k1,
                                   jnp.where(cnt == 2, k2, k3)))
        kh = jnp.min(jnp.where(hit1, ksel, BIG), axis=1, keepdims=True)
        idx_ref[:, t:t + 1] = kh * 128 + hl
        cnt = cnt + hit1.astype(jnp.int32)
        nxt = jnp.where(cnt == 1, m1,
                        jnp.where(cnt == 2, m2,
                                  jnp.where(cnt == 3, m3, INF)))
        cur = jnp.where(hit1, nxt, cur)


def _make_sc_bias(TOT, NCH):
    SHARD = TOT // _NW
    NZ = SHARD // _ZCH
    mesh = plsc.VectorSubcoreMesh(core_axis_name="c", subcore_axis_name="s")

    @functools.partial(
        pl.kernel, mesh=mesh,
        out_type=jax.ShapeDtypeStruct((TOT,), jnp.float32),
        scratch_types=[
            pltpu.VMEM((_ZCH,), jnp.float32),
            pltpu.VMEM((NCH, 128), jnp.int32),
            pltpu.VMEM((128,), jnp.float32),
            pltpu.SemaphoreType.DMA,
        ],
    )
    def sc_bias(idx_hbm, out_hbm, zbuf, fidx, vals, sem):
        wid = lax.axis_index("s") * 2 + lax.axis_index("c")

        def fill16(i, ref, v):
            ref[pl.ds(i * 16, 16)] = jnp.full((16,), v)

        pl.loop(0, _ZCH // 16)(lambda i: fill16(i, zbuf, jnp.float32(0.0)))
        pl.loop(0, 8)(lambda i: fill16(i, vals, jnp.float32(_BIAS_VAL)))
        pltpu.sync_copy(idx_hbm.at[wid], fidx)
        base = wid * SHARD

        def zero_chunk(i):
            pltpu.sync_copy(zbuf, out_hbm.at[pl.ds(base + i * _ZCH, _ZCH)])

        pl.loop(0, NZ)(zero_chunk)

        def scatter_chunk(i):
            pltpu.async_copy(vals, out_hbm.at[fidx.at[i]], sem).wait()

        pl.loop(0, NCH)(scatter_chunk)

    return sc_bias


def kernel(anchors, n, d):
    B, M, _ = anchors.shape
    R = 512
    n_hat = n / (jnp.linalg.norm(n, axis=-1, keepdims=True) + 1e-8)
    s = jnp.einsum('bmc,bc->bm', anchors, n_hat) + d
    mirrored = anchors - 2.0 * s[..., None] * n_hat[:, None, :]
    mT = jnp.swapaxes(mirrored, 1, 2)
    c = jnp.sum(mirrored * mirrored, axis=-1)[:, None, :]

    body = functools.partial(_topk_idx_kernel, R=R, M=M)
    idx8 = pl.pallas_call(
        body,
        grid=(B, M // R),
        in_specs=[
            pl.BlockSpec((None, 1, M), lambda b, r: (b, 0, 0)),
            pl.BlockSpec((None, 3, M), lambda b, r: (b, 0, 0)),
            pl.BlockSpec((None, R, 3), lambda b, r: (b, r, 0)),
        ],
        out_specs=pl.BlockSpec((None, R, _K), lambda b, r: (b, r, 0)),
        out_shape=jax.ShapeDtypeStruct((B, M, _K), jnp.int32),
    )(c, mT, anchors)

    TOT = B * M * M
    NCH = (B * M * _K // _NW) // 128
    rows = jnp.arange(B * M, dtype=jnp.int32)[:, None]
    flat = (rows * M + idx8.reshape(B * M, _K)).reshape(_NW, NCH, 128)
    out = _make_sc_bias(TOT, NCH)(flat)
    return out.reshape(B, M, M)

# --- scband reference (transcript-rebuilt; emitter-appended) ---
"""Pipeline reference for scband-staattention-bias-63685775065627 (READ-ONLY COPY).

The authoritative reference and input builder live on the scoring server;
editing this copy changes nothing except your own understanding.
"""

import jax, jax.numpy as jnp
import numpy as np

BETA = 1.0
K_MIRROR = 8
TEMPERATURE = 0.07


def pairwise_mirror_dist(anchors, n, d):
    # Mirror each anchor across the plane (n, d), then compute pairwise
    # Euclidean distances between anchors and mirrored anchors.
    n_hat = n / (jnp.linalg.norm(n, axis=-1, keepdims=True) + 1e-8)  # (B, 3)
    s = jnp.einsum('bmc,bc->bm', anchors, n_hat) + d  # (B, M), d (B,1) broadcasts
    mirrored = anchors - 2.0 * s[..., None] * n_hat[:, None, :]  # (B, M, 3)
    diff = anchors[:, :, None, :] - mirrored[:, None, :, :]  # (B, M, M, 3)
    return jnp.sqrt(jnp.sum(diff * diff, axis=-1) + 1e-12)  # (B, M, M)


def setup_inputs(seed: int = 0) -> dict:
    key = jax.random.key(seed)
    k1, k2, k3 = jax.random.split(key, 3)
    anchors = jax.random.normal(k1, (4, 4096, 3), dtype=jnp.float32)
    n = jax.random.normal(k2, (4, 3), dtype=jnp.float32)
    d = jax.random.normal(k3, (4, 1), dtype=jnp.float32)
    return {"anchors": anchors, "n": n, "d": d}


def reference(anchors, n, d):
    dist = pairwise_mirror_dist(anchors, n, d)  # (B, M, M)
    _, idx = jax.lax.top_k(-dist, K_MIRROR)  # (B, M, k)
    B, M = dist.shape[0], dist.shape[1]
    b_idx = jnp.arange(B)[:, None, None]
    m_idx = jnp.arange(M)[None, :, None]
    bias = jnp.zeros((B, M, M), dtype=anchors.dtype)
    bias = bias.at[b_idx, m_idx, idx].set(BETA)  # scatter-overwrite along dim 2
    return bias / TEMPERATURE

if __name__ == "__main__":
    import jax
    _d = setup_inputs()
    print(jax.jit(kernel)(*tuple(_d.values())))

</pallas_src>

<mosaic_0001>
#map = affine_map<(d0, d1) -> (0, 0, 0)>
#map1 = affine_map<(d0, d1) -> (0)>
module attributes {stable_mosaic.version = 14 : i64} {
  func.func @sc_bias(%arg0: i32, %arg1: i32, %arg2: memref<32x32x128xi32, #tpu.memory_space<hbm>>, %arg3: memref<67108864xf32, #tpu.memory_space<hbm>>, %arg4: memref<65536xf32, #tpu.memory_space<vmem>>, %arg5: memref<32x128xi32, #tpu.memory_space<vmem>>, %arg6: memref<128xf32, #tpu.memory_space<vmem>>, %arg7: memref<!tpu.dma_semaphore, #tpu.memory_space<semaphore_mem>>) attributes {dimension_semantics = [#tpu.dimension_semantics<core_parallel>, #tpu.dimension_semantics<subcore_parallel>], iteration_bounds = array<i64: 2, 16>, scalar_prefetch = 0 : i64, scratch_operands = 4 : i64, tpu.core_type = #tpu.core_type<sc_vector_subcore>, window_params = [{transform_indices = #map}, {transform_indices = #map1}]} {
    %mul3A = arith.constant 2 : i32
    %mul3A_0 = arith.muli %arg1, %mul3A : i32
    %add3A = arith.addi %mul3A_0, %arg0 : i32
    %scan3A = arith.constant 0 : i32
    %scan3A_1 = arith.constant 4096 : i32
    %scan3A_2 = arith.addi %scan3A, %scan3A_1 : i32
    %scan3A_3 = arith.constant 1 : i32
    scf.for %scan3A_22 = %scan3A to %scan3A_2 step %scan3A_3  : i32 {
      %mul3A_23 = arith.constant 1 : i32
      %mul3A_24 = arith.muli %scan3A_22, %mul3A_23 : i32
      %add3A_25 = arith.constant 0 : i32
      %add3A_26 = arith.addi %add3A_25, %mul3A_24 : i32
      %broadcast_in_dim3A = arith.constant 0.000000e+00 : f32
      %broadcast_in_dim3A_27 = vector.broadcast %broadcast_in_dim3A : f32 to vector<16xf32>
      %mul3A_28 = arith.constant 16 : i32
      %mul3A_29 = arith.muli %add3A_26, %mul3A_28 : i32
      %swap3A = arith.index_cast %mul3A_29 : i32 to index
      %swap3A_30 = tpu.vector_load %arg4[%swap3A] {strides = array<i32>} : memref<65536xf32, #tpu.memory_space<vmem>>, vector<16xf32>,
      %swap3A_31 = vector.shape_cast %swap3A_30 : vector<16xf32> to vector<16xf32>
      %swap3A_32 = vector.shape_cast %broadcast_in_dim3A_27 : vector<16xf32> to vector<16xf32>
      tpu.vector_store %arg4[%swap3A], %swap3A_32 {strides = array<i32>} : memref<65536xf32, #tpu.memory_space<vmem>>, vector<16xf32>,
    }
    %scan3A_4 = arith.constant 4096 : i32
    %scan3A_5 = arith.constant 0 : i32
    %scan3A_6 = arith.constant 8 : i32
    %scan3A_7 = arith.addi %scan3A_5, %scan3A_6 : i32
    %scan3A_8 = arith.constant 1 : i32
    scf.for %scan3A_22 = %scan3A_5 to %scan3A_7 step %scan3A_8  : i32 {
      %mul3A_23 = arith.constant 1 : i32
      %mul3A_24 = arith.muli %scan3A_22, %mul3A_23 : i32
      %add3A_25 = arith.constant 0 : i32
      %add3A_26 = arith.addi %add3A_25, %mul3A_24 : i32
      %broadcast_in_dim3A = arith.constant 14.2857141 : f32
      %broadcast_in_dim3A_27 = vector.broadcast %broadcast_in_dim3A : f32 to vector<16xf32>
      %mul3A_28 = arith.constant 16 : i32
      %mul3A_29 = arith.muli %add3A_26, %mul3A_28 : i32
      %swap3A = arith.index_cast %mul3A_29 : i32 to index
      %swap3A_30 = tpu.vector_load %arg6[%swap3A] {strides = array<i32>} : memref<128xf32, #tpu.memory_space<vmem>>, vector<16xf32>,
      %swap3A_31 = vector.shape_cast %swap3A_30 : vector<16xf32> to vector<16xf32>
      %swap3A_32 = vector.shape_cast %broadcast_in_dim3A_27 : vector<16xf32> to vector<16xf32>
      tpu.vector_store %arg6[%swap3A], %swap3A_32 {strides = array<i32>} : memref<128xf32, #tpu.memory_space<vmem>>, vector<16xf32>,
    }
    %scan3A_9 = arith.constant 8 : i32
    "tpu.region"() ({
      %run_scoped3A = tpu.sem_alloc : memref<!tpu.dma_semaphore, #tpu.memory_space<semaphore_mem>>
      %dma_start3A = arith.constant 0 : i32
      %dma_start3A_22 = arith.constant 0 : i32
      %dma_start3A_23 = tpu.memref_slice %arg2[%add3A, %dma_start3A, %dma_start3A_22] : memref<32x32x128xi32, #tpu.memory_space<hbm>> -> memref<1x32x128xi32, #tpu.memory_space<hbm>>
      %dma_start3A_24 = tpu.memref_squeeze %dma_start3A_23 : memref<1x32x128xi32, #tpu.memory_space<hbm>> -> memref<32x128xi32, #tpu.memory_space<hbm>>
      %dma_start3A_25 = arith.constant 0 : i32
      %dma_start3A_26 = arith.constant 0 : i32
      %dma_start3A_27 = tpu.memref_slice %arg2[%add3A, %dma_start3A_25, %dma_start3A_26] : memref<32x32x128xi32, #tpu.memory_space<hbm>> -> memref<1x32x128xi32, #tpu.memory_space<hbm>>
      %dma_start3A_28 = tpu.memref_squeeze %dma_start3A_27 : memref<1x32x128xi32, #tpu.memory_space<hbm>> -> memref<32x128xi32, #tpu.memory_space<hbm>>
      tpu.enqueue_dma source(%dma_start3A_28 : memref<32x128xi32, #tpu.memory_space<hbm>>) target(%arg5 : memref<32x128xi32, #tpu.memory_space<vmem>>) target_semaphore(%run_scoped3A : memref<!tpu.dma_semaphore, #tpu.memory_space<semaphore_mem>>)
      %dma_wait3A = arith.constant 0 : i32
      %dma_wait3A_29 = arith.constant 0 : i32
      %dma_wait3A_30 = tpu.memref_slice %arg2[%add3A, %dma_wait3A, %dma_wait3A_29] : memref<32x32x128xi32, #tpu.memory_space<hbm>> -> memref<1x32x128xi32, #tpu.memory_space<hbm>>
      %dma_wait3A_31 = tpu.memref_squeeze %dma_wait3A_30 : memref<1x32x128xi32, #tpu.memory_space<hbm>> -> memref<32x128xi32, #tpu.memory_space<hbm>>
      %dma_wait3A_32 = arith.constant 0 : i32
      %dma_wait3A_33 = arith.constant 0 : i32
      %dma_wait3A_34 = tpu.memref_slice %arg2[%add3A, %dma_wait3A_32, %dma_wait3A_33] : memref<32x32x128xi32, #tpu.memory_space<hbm>> -> memref<1x32x128xi32, #tpu.memory_space<hbm>>
      %dma_wait3A_35 = tpu.memref_squeeze %dma_wait3A_34 : memref<1x32x128xi32, #tpu.memory_space<hbm>> -> memref<32x128xi32, #tpu.memory_space<hbm>>
      tpu.wait_dma2 semaphore(%run_scoped3A : memref<!tpu.dma_semaphore, #tpu.memory_space<semaphore_mem>>) src(%dma_wait3A_35 : memref<32x128xi32, #tpu.memory_space<hbm>>) dst(%arg5 : memref<32x128xi32, #tpu.memory_space<vmem>>)
      tpu.yield
    }) : () -> ()
    %mul3A_10 = arith.constant 2097152 : i32
    %mul3A_11 = arith.muli %add3A, %mul3A_10 : i32
    %scan3A_12 = arith.constant 0 : i32
    %scan3A_13 = arith.constant 32 : i32
    %scan3A_14 = arith.addi %scan3A_12, %scan3A_13 : i32
    %scan3A_15 = arith.constant 1 : i32
    scf.for %scan3A_22 = %scan3A_12 to %scan3A_14 step %scan3A_15  : i32 {
      %mul3A_23 = arith.constant 1 : i32
      %mul3A_24 = arith.muli %scan3A_22, %mul3A_23 : i32
      %add3A_25 = arith.constant 0 : i32
      %add3A_26 = arith.addi %add3A_25, %mul3A_24 : i32
      %mul3A_27 = arith.constant 65536 : i32
      %mul3A_28 = arith.muli %add3A_26, %mul3A_27 : i32
      %add3A_29 = arith.addi %mul3A_11, %mul3A_28 : i32
      "tpu.region"() ({
        %run_scoped3A = tpu.sem_alloc : memref<!tpu.dma_semaphore, #tpu.memory_space<semaphore_mem>>
        %dma_start3A = tpu.memref_slice %arg3[%add3A_29] : memref<67108864xf32, #tpu.memory_space<hbm>> -> memref<65536xf32, #tpu.memory_space<hbm>>
        %dma_start3A_30 = tpu.memref_slice %arg3[%add3A_29] : memref<67108864xf32, #tpu.memory_space<hbm>> -> memref<65536xf32, #tpu.memory_space<hbm>>
        tpu.enqueue_dma source(%arg4 : memref<65536xf32, #tpu.memory_space<vmem>>) target(%dma_start3A_30 : memref<65536xf32, #tpu.memory_space<hbm>>) target_semaphore(%run_scoped3A : memref<!tpu.dma_semaphore, #tpu.memory_space<semaphore_mem>>)
        %dma_wait3A = tpu.memref_slice %arg3[%add3A_29] : memref<67108864xf32, #tpu.memory_space<hbm>> -> memref<65536xf32, #tpu.memory_space<hbm>>
        %dma_wait3A_31 = tpu.memref_slice %arg3[%add3A_29] : memref<67108864xf32, #tpu.memory_space<hbm>> -> memref<65536xf32, #tpu.memory_space<hbm>>
        tpu.wait_dma2 semaphore(%run_scoped3A : memref<!tpu.dma_semaphore, #tpu.memory_space<semaphore_mem>>) src(%arg4 : memref<65536xf32, #tpu.memory_space<vmem>>) dst(%dma_wait3A_31 : memref<65536xf32, #tpu.memory_space<hbm>>)
        tpu.yield
      }) : () -> ()
    }
    %scan3A_16 = arith.constant 32 : i32
    %scan3A_17 = arith.constant 0 : i32
    %scan3A_18 = arith.constant 32 : i32
    %scan3A_19 = arith.addi %scan3A_17, %scan3A_18 : i32
    %scan3A_20 = arith.constant 1 : i32
    scf.for %scan3A_22 = %scan3A_17 to %scan3A_19 step %scan3A_20  : i32 {
      %mul3A_23 = arith.constant 1 : i32
      %mul3A_24 = arith.muli %scan3A_22, %mul3A_23 : i32
      %add3A_25 = arith.constant 0 : i32
      %add3A_26 = arith.addi %add3A_25, %mul3A_24 : i32
      %dma_start3A = arith.constant 0 : i32
      %dma_start3A_27 = tpu.memref_slice %arg5[%add3A_26, %dma_start3A] : memref<32x128xi32, #tpu.memory_space<vmem>> -> memref<1x128xi32, #tpu.memory_space<vmem>>
      %dma_start3A_28 = tpu.memref_squeeze %dma_start3A_27 : memref<1x128xi32, #tpu.memory_space<vmem>> -> memref<128xi32, #tpu.memory_space<vmem>>
      %dma_start3A_29 = arith.constant 0 : i32
      %dma_start3A_30 = tpu.memref_slice %arg3[%dma_start3A_29] : memref<67108864xf32, #tpu.memory_space<hbm>> -> memref<67108864xf32, #tpu.memory_space<hbm>>
      tpu.enqueue_indirect_dma source(%arg6 : memref<128xf32, #tpu.memory_space<vmem>>) target(%dma_start3A_30 : memref<67108864xf32, #tpu.memory_space<hbm>>) offsets(%dma_start3A_28 : memref<128xi32, #tpu.memory_space<vmem>>) semaphore(%arg7 : memref<!tpu.dma_semaphore, #tpu.memory_space<semaphore_mem>>)
      %dma_wait3A = arith.constant 0 : i32
      %dma_wait3A_31 = tpu.memref_slice %arg5[%add3A_26, %dma_wait3A] : memref<32x128xi32, #tpu.memory_space<vmem>> -> memref<1x128xi32, #tpu.memory_space<vmem>>
      %dma_wait3A_32 = tpu.memref_squeeze %dma_wait3A_31 : memref<1x128xi32, #tpu.memory_space<vmem>> -> memref<128xi32, #tpu.memory_space<vmem>>
      %dma_wait3A_33 = arith.constant 0 : i32
      %dma_wait3A_34 = tpu.memref_slice %arg3[%dma_wait3A_33] : memref<67108864xf32, #tpu.memory_space<hbm>> -> memref<67108864xf32, #tpu.memory_space<hbm>>
      tpu.wait_indirect_dma semaphore(%arg7 : memref<!tpu.dma_semaphore, #tpu.memory_space<semaphore_mem>>) src(%arg6 : memref<128xf32, #tpu.memory_space<vmem>>) dst(%dma_wait3A_34 : memref<67108864xf32, #tpu.memory_space<hbm>>)
    }
    %scan3A_21 = arith.constant 32 : i32
    return
  }
}

module attributes {stable_mosaic.version = 14 : i64} {
  func.func @_topk_idx_kernel(%arg0: i32, %arg1: i32, %arg2: memref<1x1x4096xf32, #tpu.memory_space<vmem>>, %arg3: memref<1x3x4096xf32, #tpu.memory_space<vmem>>, %arg4: memref<1x512x3xf32, #tpu.memory_space<vmem>>, %arg5: memref<1x512x8xi32, #tpu.memory_space<vmem>>) attributes {dimension_semantics = [#tpu.dimension_semantics<arbitrary>, #tpu.dimension_semantics<arbitrary>], iteration_bounds = array<i64: 4, 8>, scalar_prefetch = 0 : i64, scratch_operands = 0 : i64, tpu.core_type = #tpu.core_type<tc>, window_params = [{transform_indices = @transform_0, window_bounds = array<i64: 1, 1, 4096>}, {transform_indices = @transform_1, window_bounds = array<i64: 1, 3, 4096>}, {transform_indices = @transform_2, window_bounds = array<i64: 1, 512, 3>}, {transform_indices = @transform_3, window_bounds = array<i64: 1, 512, 8>}]} {
    %get3A = arith.constant 0 : index
    %get3A_0 = arith.constant 0 : index
    %get3A_1 = arith.constant 0 : index
    %get3A_2 = vector.load %arg2[%get3A, %get3A_0, %get3A_1] : memref<1x1x4096xf32, #tpu.memory_space<vmem>>, vector<1x1x4096xf32>
    %get3A_3 = vector.shape_cast %get3A_2 : vector<1x1x4096xf32> to vector<1x4096xf32>
    %get3A_4 = arith.constant 0 : index
    %get3A_5 = arith.constant 0 : index
    %get3A_6 = arith.constant 0 : index
    %get3A_7 = vector.load %arg3[%get3A_4, %get3A_5, %get3A_6] : memref<1x3x4096xf32, #tpu.memory_space<vmem>>, vector<1x1x4096xf32>
    %get3A_8 = vector.shape_cast %get3A_7 : vector<1x1x4096xf32> to vector<1x4096xf32>
    %mul3A = arith.constant -2.000000e+00 : f32
    %mul3A_9 = vector.broadcast %mul3A : f32 to vector<1x4096xf32>
    %mul3A_10 = arith.mulf %mul3A_9, %get3A_8 : vector<1x4096xf32>
    %get3A_11 = arith.constant 0 : index
    %get3A_12 = arith.constant 1 : index
    %get3A_13 = arith.constant 0 : index
    %get3A_14 = vector.load %arg3[%get3A_11, %get3A_12, %get3A_13] : memref<1x3x4096xf32, #tpu.memory_space<vmem>>, vector<1x1x4096xf32>
    %get3A_15 = vector.shape_cast %get3A_14 : vector<1x1x4096xf32> to vector<1x4096xf32>
    %mul3A_16 = arith.constant -2.000000e+00 : f32
    %mul3A_17 = vector.broadcast %mul3A_16 : f32 to vector<1x4096xf32>
    %mul3A_18 = arith.mulf %mul3A_17, %get3A_15 : vector<1x4096xf32>
    %get3A_19 = arith.constant 0 : index
    %get3A_20 = arith.constant 2 : index
    %get3A_21 = arith.constant 0 : index
    %get3A_22 = vector.load %arg3[%get3A_19, %get3A_20, %get3A_21] : memref<1x3x4096xf32, #tpu.memory_space<vmem>>, vector<1x1x4096xf32>
    %get3A_23 = vector.shape_cast %get3A_22 : vector<1x1x4096xf32> to vector<1x4096xf32>
    %mul3A_24 = arith.constant -2.000000e+00 : f32
    %mul3A_25 = vector.broadcast %mul3A_24 : f32 to vector<1x4096xf32>
    %mul3A_26 = arith.mulf %mul3A_25, %get3A_23 : vector<1x4096xf32>
    %get3A_27 = arith.constant 0 : index
    %get3A_28 = arith.constant 0 : index
    %get3A_29 = arith.constant 0 : index
    %get3A_30 = vector.load %arg4[%get3A_27, %get3A_28, %get3A_29] : memref<1x512x3xf32, #tpu.memory_space<vmem>>, vector<1x512x1xf32>
    %get3A_31 = vector.shape_cast %get3A_30 : vector<1x512x1xf32> to vector<512x1xf32>
    %get3A_32 = arith.constant 0 : index
    %get3A_33 = arith.constant 0 : index
    %get3A_34 = arith.constant 1 : index
    %get3A_35 = vector.load %arg4[%get3A_32, %get3A_33, %get3A_34] : memref<1x512x3xf32, #tpu.memory_space<vmem>>, vector<1x512x1xf32>
    %get3A_36 = vector.shape_cast %get3A_35 : vector<1x512x1xf32> to vector<512x1xf32>
    %get3A_37 = arith.constant 0 : index
    %get3A_38 = arith.constant 0 : index
    %get3A_39 = arith.constant 2 : index
    %get3A_40 = vector.load %arg4[%get3A_37, %get3A_38, %get3A_39] : memref<1x512x3xf32, #tpu.memory_space<vmem>>, vector<1x512x1xf32>
    %get3A_41 = vector.shape_cast %get3A_40 : vector<1x512x1xf32> to vector<512x1xf32>
    %mul3A_42 = vector.broadcast %get3A_31 : vector<512x1xf32> to vector<512x4096xf32>
    %mul3A_43 = vector.broadcast %mul3A_10 : vector<1x4096xf32> to vector<512x4096xf32>
    %mul3A_44 = arith.mulf %mul3A_42, %mul3A_43 : vector<512x4096xf32>
    %add3A = vector.broadcast %get3A_3 : vector<1x4096xf32> to vector<512x4096xf32>
    %add3A_45 = arith.addf %add3A, %mul3A_44 : vector<512x4096xf32>
    %mul3A_46 = vector.broadcast %get3A_36 : vector<512x1xf32> to vector<512x4096xf32>
    %mul3A_47 = vector.broadcast %mul3A_18 : vector<1x4096xf32> to vector<512x4096xf32>
    %mul3A_48 = arith.mulf %mul3A_46, %mul3A_47 : vector<512x4096xf32>
    %add3A_49 = arith.addf %add3A_45, %mul3A_48 : vector<512x4096xf32>
    %mul3A_50 = vector.broadcast %get3A_41 : vector<512x1xf32> to vector<512x4096xf32>
    %mul3A_51 = vector.broadcast %mul3A_26 : vector<1x4096xf32> to vector<512x4096xf32>
    %mul3A_52 = arith.mulf %mul3A_50, %mul3A_51 : vector<512x4096xf32>
    %add3A_53 = arith.addf %add3A_49, %mul3A_52 : vector<512x4096xf32>
    %slice3A = vector.extract_strided_slice %add3A_53 {offsets = [0, 0], sizes = [512, 128], strides = [1, 1]} : vector<512x4096xf32> to vector<512x128xf32>
    %slice3A_54 = vector.extract_strided_slice %add3A_53 {offsets = [0, 128], sizes = [512, 128], strides = [1, 1]} : vector<512x4096xf32> to vector<512x128xf32>
    %slice3A_55 = vector.extract_strided_slice %add3A_53 {offsets = [0, 256], sizes = [512, 128], strides = [1, 1]} : vector<512x4096xf32> to vector<512x128xf32>
    %slice3A_56 = vector.extract_strided_slice %add3A_53 {offsets = [0, 384], sizes = [512, 128], strides = [1, 1]} : vector<512x4096xf32> to vector<512x128xf32>
    %slice3A_57 = vector.extract_strided_slice %add3A_53 {offsets = [0, 512], sizes = [512, 128], strides = [1, 1]} : vector<512x4096xf32> to vector<512x128xf32>
    %slice3A_58 = vector.extract_strided_slice %add3A_53 {offsets = [0, 640], sizes = [512, 128], strides = [1, 1]} : vector<512x4096xf32> to vector<512x128xf32>
    %slice3A_59 = vector.extract_strided_slice %add3A_53 {offsets = [0, 768], sizes = [512, 128], strides = [1, 1]} : vector<512x4096xf32> to vector<512x128xf32>
    %slice3A_60 = vector.extract_strided_slice %add3A_53 {offsets = [0, 896], sizes = [512, 128], strides = [1, 1]} : vector<512x4096xf32> to vector<512x128xf32>
    %slice3A_61 = vector.extract_strided_slice %add3A_53 {offsets = [0, 1024], sizes = [512, 128], strides = [1, 1]} : vector<512x4096xf32> to vector<512x128xf32>
    %slice3A_62 = vector.extract_strided_slice %add3A_53 {offsets = [0, 1152], sizes = [512, 128], strides = [1, 1]} : vector<512x4096xf32> to vector<512x128xf32>
    %slice3A_63 = vector.extract_strided_slice %add3A_53 {offsets = [0, 1280], sizes = [512, 128], strides = [1, 1]} : vector<512x4096xf32> to vector<512x128xf32>
    %slice3A_64 = vector.extract_strided_slice %add3A_53 {offsets = [0, 1408], sizes = [512, 128], strides = [1, 1]} : vector<512x4096xf32> to vector<512x128xf32>
    %slice3A_65 = vector.extract_strided_slice %add3A_53 {offsets = [0, 1536], sizes = [512, 128], strides = [1, 1]} : vector<512x4096xf32> to vector<512x128xf32>
    %slice3A_66 = vector.extract_strided_slice %add3A_53 {offsets = [0, 1664], sizes = [512, 128], strides = [1, 1]} : vector<512x4096xf32> to vector<512x128xf32>
    %slice3A_67 = vector.extract_strided_slice %add3A_53 {offsets = [0, 1792], sizes = [512, 128], strides = [1, 1]} : vector<512x4096xf32> to vector<512x128xf32>
    %slice3A_68 = vector.extract_strided_slice %add3A_53 {offsets = [0, 1920], sizes = [512, 128], strides = [1, 1]} : vector<512x4096xf32> to vector<512x128xf32>
    %slice3A_69 = vector.extract_strided_slice %add3A_53 {offsets = [0, 2048], sizes = [512, 128], strides = [1, 1]} : vector<512x4096xf32> to vector<512x128xf32>
    %slice3A_70 = vector.extract_strided_slice %add3A_53 {offsets = [0, 2176], sizes = [512, 128], strides = [1, 1]} : vector<512x4096xf32> to vector<512x128xf32>
    %slice3A_71 = vector.extract_strided_slice %add3A_53 {offsets = [0, 2304], sizes = [512, 128], strides = [1, 1]} : vector<512x4096xf32> to vector<512x128xf32>
    %slice3A_72 = vector.extract_strided_slice %add3A_53 {offsets = [0, 2432], sizes = [512, 128], strides = [1, 1]} : vector<512x4096xf32> to vector<512x128xf32>
    %slice3A_73 = vector.extract_strided_slice %add3A_53 {offsets = [0, 2560], sizes = [512, 128], strides = [1, 1]} : vector<512x4096xf32> to vector<512x128xf32>
    %slice3A_74 = vector.extract_strided_slice %add3A_53 {offsets = [0, 2688], sizes = [512, 128], strides = [1, 1]} : vector<512x4096xf32> to vector<512x128xf32>
    %slice3A_75 = vector.extract_strided_slice %add3A_53 {offsets = [0, 2816], sizes = [512, 128], strides = [1, 1]} : vector<512x4096xf32> to vector<512x128xf32>
    %slice3A_76 = vector.extract_strided_slice %add3A_53 {offsets = [0, 2944], sizes = [512, 128], strides = [1, 1]} : vector<512x4096xf32> to vector<512x128xf32>
    %slice3A_77 = vector.extract_strided_slice %add3A_53 {offsets = [0, 3072], sizes = [512, 128], strides = [1, 1]} : vector<512x4096xf32> to vector<512x128xf32>
    %slice3A_78 = vector.extract_strided_slice %add3A_53 {offsets = [0, 3200], sizes = [512, 128], strides = [1, 1]} : vector<512x4096xf32> to vector<512x128xf32>
    %slice3A_79 = vector.extract_strided_slice %add3A_53 {offsets = [0, 3328], sizes = [512, 128], strides = [1, 1]} : vector<512x4096xf32> to vector<512x128xf32>
    %slice3A_80 = vector.extract_strided_slice %add3A_53 {offsets = [0, 3456], sizes = [512, 128], strides = [1, 1]} : vector<512x4096xf32> to vector<512x128xf32>
    %slice3A_81 = vector.extract_strided_slice %add3A_53 {offsets = [0, 3584], sizes = [512, 128], strides = [1, 1]} : vector<512x4096xf32> to vector<512x128xf32>
    %slice3A_82 = vector.extract_strided_slice %add3A_53 {offsets = [0, 3712], sizes = [512, 128], strides = [1, 1]} : vector<512x4096xf32> to vector<512x128xf32>
    %slice3A_83 = vector.extract_strided_slice %add3A_53 {offsets = [0, 3840], sizes = [512, 128], strides = [1, 1]} : vector<512x4096xf32> to vector<512x128xf32>
    %slice3A_84 = vector.extract_strided_slice %add3A_53 {offsets = [0, 3968], sizes = [512, 128], strides = [1, 1]} : vector<512x4096xf32> to vector<512x128xf32>
    %broadcast_in_dim3A = arith.constant 0 : i32
    %broadcast_in_dim3A_85 = vector.broadcast %broadcast_in_dim3A : i32 to vector<512x128xi32>
    %broadcast_in_dim3A_86 = arith.constant 0x7F800000 : f32
    %broadcast_in_dim3A_87 = vector.broadcast %broadcast_in_dim3A_86 : f32 to vector<512x128xf32>
    %broadcast_in_dim3A_88 = arith.constant 1 : i32
    %broadcast_in_dim3A_89 = vector.broadcast %broadcast_in_dim3A_88 : i32 to vector<512x128xi32>
    %lt3A = arith.cmpf olt, %slice3A_54, %slice3A : vector<512x128xf32>
    %select_n3A = arith.select %lt3A, %slice3A, %slice3A_54 : vector<512x128xi1>, vector<512x128xf32>
    %select_n3A_90 = arith.select %lt3A, %broadcast_in_dim3A_85, %broadcast_in_dim3A_89 : vector<512x128xi1>, vector<512x128xi32>
    %select_n3A_91 = arith.select %lt3A, %slice3A_54, %slice3A : vector<512x128xi1>, vector<512x128xf32>
    %select_n3A_92 = arith.select %lt3A, %broadcast_in_dim3A_89, %broadcast_in_dim3A_85 : vector<512x128xi1>, vector<512x128xi32>
    %lt3A_93 = arith.cmpf olt, %select_n3A, %broadcast_in_dim3A_87 : vector<512x128xf32>
    %select_n3A_94 = arith.select %lt3A_93, %broadcast_in_dim3A_87, %select_n3A : vector<512x128xi1>, vector<512x128xf32>
    %select_n3A_95 = arith.select %lt3A_93, %broadcast_in_dim3A_85, %select_n3A_90 : vector<512x128xi1>, vector<512x128xi32>
    %select_n3A_96 = arith.select %lt3A_93, %select_n3A, %broadcast_in_dim3A_87 : vector<512x128xi1>, vector<512x128xf32>
    %select_n3A_97 = arith.select %lt3A_93, %select_n3A_90, %broadcast_in_dim3A_85 : vector<512x128xi1>, vector<512x128xi32>
    %lt3A_98 = arith.cmpf olt, %select_n3A_94, %broadcast_in_dim3A_87 : vector<512x128xf32>
    %select_n3A_99 = arith.select %lt3A_98, %broadcast_in_dim3A_87, %select_n3A_94 : vector<512x128xi1>, vector<512x128xf32>
    %select_n3A_100 = arith.select %lt3A_98, %broadcast_in_dim3A_85, %select_n3A_95 : vector<512x128xi1>, vector<512x128xi32>
    %select_n3A_101 = arith.select %lt3A_98, %select_n3A_94, %broadcast_in_dim3A_87 : vector<512x128xi1>, vector<512x128xf32>
    %select_n3A_102 = arith.select %lt3A_98, %select_n3A_95, %broadcast_in_dim3A_85 : vector<512x128xi1>, vector<512x128xi32>
    %lt3A_103 = arith.cmpf olt, %select_n3A_99, %broadcast_in_dim3A_87 : vector<512x128xf32>
    %select_n3A_104 = arith.select %lt3A_103, %select_n3A_99, %broadcast_in_dim3A_87 : vector<512x128xi1>, vector<512x128xf32>
    %select_n3A_105 = arith.select %lt3A_103, %select_n3A_100, %broadcast_in_dim3A_85 : vector<512x128xi1>, vector<512x128xi32>
    %broadcast_in_dim3A_106 = arith.constant 2 : i32
    %broadcast_in_dim3A_107 = vector.broadcast %broadcast_in_dim3A_106 : i32 to vector<512x128xi32>
    %lt3A_108 = arith.cmpf olt, %slice3A_55, %select_n3A_91 : vector<512x128xf32>
    %select_n3A_109 = arith.select %lt3A_108, %select_n3A_91, %slice3A_55 : vector<512x128xi1>, vector<512x128xf32>
    %select_n3A_110 = arith.select %lt3A_108, %select_n3A_92, %broadcast_in_dim3A_107 : vector<512x128xi1>, vector<512x128xi32>
    %select_n3A_111 = arith.select %lt3A_108, %slice3A_55, %select_n3A_91 : vector<512x128xi1>, vector<512x128xf32>
    %select_n3A_112 = arith.select %lt3A_108, %broadcast_in_dim3A_107, %select_n3A_92 : vector<512x128xi1>, vector<512x128xi32>
    %lt3A_113 = arith.cmpf olt, %select_n3A_109, %select_n3A_96 : vector<512x128xf32>
    %select_n3A_114 = arith.select %lt3A_113, %select_n3A_96, %select_n3A_109 : vector<512x128xi1>, vector<512x128xf32>
    %select_n3A_115 = arith.select %lt3A_113, %select_n3A_97, %select_n3A_110 : vector<512x128xi1>, vector<512x128xi32>
    %select_n3A_116 = arith.select %lt3A_113, %select_n3A_109, %select_n3A_96 : vector<512x128xi1>, vector<512x128xf32>
    %select_n3A_117 = arith.select %lt3A_113, %select_n3A_110, %select_n3A_97 : vector<512x128xi1>, vector<512x128xi32>
    %lt3A_118 = arith.cmpf olt, %select_n3A_114, %select_n3A_101 : vector<512x128xf32>
    %select_n3A_119 = arith.select %lt3A_118, %select_n3A_101, %select_n3A_114 : vector<512x128xi1>, vector<512x128xf32>
    %select_n3A_120 = arith.select %lt3A_118, %select_n3A_102, %select_n3A_115 : vector<512x128xi1>, vector<512x128xi32>
    %select_n3A_121 = arith.select %lt3A_118, %select_n3A_114, %select_n3A_101 : vector<512x128xi1>, vector<512x128xf32>
    %select_n3A_122 = arith.select %lt3A_118, %select_n3A_115, %select_n3A_102 : vector<512x128xi1>, vector<512x128xi32>
    %lt3A_123 = arith.cmpf olt, %select_n3A_119, %select_n3A_104 : vector<512x128xf32>
    %select_n3A_124 = arith.select %lt3A_123, %select_n3A_119, %select_n3A_104 : vector<512x128xi1>, vector<512x128xf32>
    %select_n3A_125 = arith.select %lt3A_123, %select_n3A_120, %select_n3A_105 : vector<512x128xi1>, vector<512x128xi32>
    %broadcast_in_dim3A_126 = arith.constant 3 : i32
    %broadcast_in_dim3A_127 = vector.broadcast %broadcast_in_dim3A_126 : i32 to vector<512x128xi32>
    %lt3A_128 = arith.cmpf olt, %slice3A_56, %select_n3A_111 : vector<512x128xf32>
    %select_n3A_129 = arith.select %lt3A_128, %select_n3A_111, %slice3A_56 : vector<512x128xi1>, vector<512x128xf32>
    %select_n3A_130 = arith.select %lt3A_128, %select_n3A_112, %broadcast_in_dim3A_127 : vector<512x128xi1>, vector<512x128xi32>
    %select_n3A_131 = arith.select %lt3A_128, %slice3A_56, %select_n3A_111 : vector<512x128xi1>, vector<512x128xf32>
    %select_n3A_132 = arith.select %lt3A_128, %broadcast_in_dim3A_127, %select_n3A_112 : vector<512x128xi1>, vector<512x128xi32>
    %lt3A_133 = arith.cmpf olt, %select_n3A_129, %select_n3A_116 : vector<512x128xf32>
    %select_n3A_134 = arith.select %lt3A_133, %select_n3A_116, %select_n3A_129 : vector<512x128xi1>, vector<512x128xf32>
    %select_n3A_135 = arith.select %lt3A_133, %select_n3A_117, %select_n3A_130 : vector<512x128xi1>, vector<512x128xi32>
    %select_n3A_136 = arith.select %lt3A_133, %select_n3A_129, %select_n3A_116 : vector<512x128xi1>, vector<512x128xf32>
    %select_n3A_137 = arith.select %lt3A_133, %select_n3A_130, %select_n3A_117 : vector<512x128xi1>, vector<512x128xi32>
    %lt3A_138 = arith.cmpf olt, %select_n3A_134, %select_n3A_121 : vector<512x128xf32>
    %select_n3A_139 = arith.select %lt3A_138, %select_n3A_121, %select_n3A_134 : vector<512x128xi1>, vector<512x128xf32>
    %select_n3A_140 = arith.select %lt3A_138, %select_n3A_122, %select_n3A_135 : vector<512x128xi1>, vector<512x128xi32>
    %select_n3A_141 = arith.select %lt3A_138, %select_n3A_134, %select_n3A_121 : vector<512x128xi1>, vector<512x128xf32>
    %select_n3A_142 = arith.select %lt3A_138, %select_n3A_135, %select_n3A_122 : vector<512x128xi1>, vector<512x128xi32>
    %lt3A_143 = arith.cmpf olt, %select_n3A_139, %select_n3A_124 : vector<512x128xf32>
    %select_n3A_144 = arith.select %lt3A_143, %select_n3A_139, %select_n3A_124 : vector<512x128xi1>, vector<512x128xf32>
    %select_n3A_145 = arith.select %lt3A_143, %select_n3A_140, %select_n3A_125 : vector<512x128xi1>, vector<512x128xi32>
    %broadcast_in_dim3A_146 = arith.constant 4 : i32
    %broadcast_in_dim3A_147 = vector.broadcast %broadcast_in_dim3A_146 : i32 to vector<512x128xi32>
    %lt3A_148 = arith.cmpf olt, %slice3A_57, %select_n3A_131 : vector<512x128xf32>
    %select_n3A_149 = arith.select %lt3A_148, %select_n3A_131, %slice3A_57 : vector<512x128xi1>, vector<512x128xf32>
    %select_n3A_150 = arith.select %lt3A_148, %select_n3A_132, %broadcast_in_dim3A_147 : vector<512x128xi1>, vector<512x128xi32>
    %select_n3A_151 = arith.select %lt3A_148, %slice3A_57, %select_n3A_131 : vector<512x128xi1>, vector<512x128xf32>
    %select_n3A_152 = arith.select %lt3A_148, %broadcast_in_dim3A_147, %select_n3A_132 : vector<512x128xi1>, vector<512x128xi32>
    %lt3A_153 = arith.cmpf olt, %select_n3A_149, %select_n3A_136 : vector<512x128xf32>
    %select_n3A_154 = arith.select %lt3A_153, %select_n3A_136, %select_n3A_149 : vector<512x128xi1>, vector<512x128xf32>
    %select_n3A_155 = arith.select %lt3A_153, %select_n3A_137, %select_n3A_150 : vector<512x128xi1>, vector<512x128xi32>
    %select_n3A_156 = arith.select %lt3A_153, %select_n3A_149, %select_n3A_136 : vector<512x128xi1>, vector<512x128xf32>
    %select_n3A_157 = arith.select %lt3A_153, %select_n3A_150, %select_n3A_137 : vector<512x128xi1>, vector<512x128xi32>
    %lt3A_158 = arith.cmpf olt, %select_n3A_154, %select_n3A_141 : vector<512x128xf32>
    %select_n3A_159 = arith.select %lt3A_158, %select_n3A_141, %select_n3A_154 : vector<512x128xi1>, vector<512x128xf32>
    %select_n3A_160 = arith.select %lt3A_158, %select_n3A_142, %select_n3A_155 : vector<512x128xi1>, vector<512x128xi32>
    %select_n3A_161 = arith.select %lt3A_158, %select_n3A_154, %select_n3A_141 : vector<512x128xi1>, vector<512x128xf32>
    %select_n3A_162 = arith.select %lt3A_158, %select_n3A_155, %select_n3A_142 : vector<512x128xi1>, vector<512x128xi32>
    %lt3A_163 = arith.cmpf olt, %select_n3A_159, %select_n3A_144 : vector<512x128xf32>
    %select_n3A_164 = arith.select %lt3A_163, %select_n3A_159, %select_n3A_144 : vector<512x128xi1>, vector<512x128xf32>
    %select_n3A_165 = arith.select %lt3A_163, %select_n3A_160, %select_n3A_145 : vector<512x128xi1>, vector<512x128xi32>
    %broadcast_in_dim3A_166 = arith.constant 5 : i32
    %broadcast_in_dim3A_167 = vector.broadcast %broadcast_in_dim3A_166 : i32 to vector<512x128xi32>
    %lt3A_168 = arith.cmpf olt, %slice3A_58, %select_n3A_151 : vector<512x128xf32>
    %select_n3A_169 = arith.select %lt3A_168, %select_n3A_151, %slice3A_58 : vector<512x128xi1>, vector<512x128xf32>
    %select_n3A_170 = arith.select %lt3A_168, %select_n3A_152, %broadcast_in_dim3A_167 : vector<512x128xi1>, vector<512x128xi32>
    %select_n3A_171 = arith.select %lt3A_168, %slice3A_58, %select_n3A_151 : vector<512x128xi1>, vector<512x128xf32>
    %select_n3A_172 = arith.select %lt3A_168, %broadcast_in_dim3A_167, %select_n3A_152 : vector<512x128xi1>, vector<512x128xi32>
    %lt3A_173 = arith.cmpf olt, %select_n3A_169, %select_n3A_156 : vector<512x128xf32>
    %select_n3A_174 = arith.select %lt3A_173, %select_n3A_156, %select_n3A_169 : vector<512x128xi1>, vector<512x128xf32>
    %select_n3A_175 = arith.select %lt3A_173, %select_n3A_157, %select_n3A_170 : vector<512x128xi1>, vector<512x128xi32>
    %select_n3A_176 = arith.select %lt3A_173, %select_n3A_169, %select_n3A_156 : vector<512x128xi1>, vector<512x128xf32>
    %select_n3A_177 = arith.select %lt3A_173, %select_n3A_170, %select_n3A_157 : vector<512x128xi1>, vector<512x128xi32>
    %lt3A_178 = arith.cmpf olt, %select_n3A_174, %select_n3A_161 : vector<512x128xf32>
    %select_n3A_179 = arith.select %lt3A_178, %select_n3A_161, %select_n3A_174 : vector<512x128xi1>, vector<512x128xf32>
    %select_n3A_180 = arith.select %lt3A_178, %select_n3A_162, %select_n3A_175 : vector<512x128xi1>, vector<512x128xi32>
    %select_n3A_181 = arith.select %lt3A_178, %select_n3A_174, %select_n3A_161 : vector<512x128xi1>, vector<512x128xf32>
    %select_n3A_182 = arith.select %lt3A_178, %select_n3A_175, %select_n3A_162 : vector<512x128xi1>, vector<512x128xi32>
    %lt3A_183 = arith.cmpf olt, %select_n3A_179, %select_n3A_164 : vector<512x128xf32>
    %select_n3A_184 = arith.select %lt3A_183, %select_n3A_179, %select_n3A_164 : vector<512x128xi1>, vector<512x128xf32>
    %select_n3A_185 = arith.select %lt3A_183, %select_n3A_180, %select_n3A_165 : vector<512x128xi1>, vector<512x128xi32>
    %broadcast_in_dim3A_186 = arith.constant 6 : i32
    %broadcast_in_dim3A_187 = vector.broadcast %broadcast_in_dim3A_186 : i32 to vector<512x128xi32>
    %lt3A_188 = arith.cmpf olt, %slice3A_59, %select_n3A_171 : vector<512x128xf32>
    %select_n3A_189 = arith.select %lt3A_188, %select_n3A_171, %slice3A_59 : vector<512x128xi1>, vector<512x128xf32>
    %select_n3A_190 = arith.select %lt3A_188, %select_n3A_172, %broadcast_in_dim3A_187 : vector<512x128xi1>, vector<512x128xi32>
    %select_n3A_191 = arith.select %lt3A_188, %slice3A_59, %select_n3A_171 : vector<512x128xi1>, vector<512x128xf32>
    %select_n3A_192 = arith.select %lt3A_188, %broadcast_in_dim3A_187, %select_n3A_172 : vector<512x128xi1>, vector<512x128xi32>
    %lt3A_193 = arith.cmpf olt, %select_n3A_189, %select_n3A_176 : vector<512x128xf32>
    %select_n3A_194 = arith.select %lt3A_193, %select_n3A_176, %select_n3A_189 : vector<512x128xi1>, vector<512x128xf32>
    %select_n3A_195 = arith.select %lt3A_193, %select_n3A_177, %select_n3A_190 : vector<512x128xi1>, vector<512x128xi32>
    %select_n3A_196 = arith.select %lt3A_193, %select_n3A_189, %select_n3A_176 : vector<512x128xi1>, vector<512x128xf32>
    %select_n3A_197 = arith.select %lt3A_193, %select_n3A_190, %select_n3A_177 : vector<512x128xi1>, vector<512x128xi32>
    %lt3A_198 = arith.cmpf olt, %select_n3A_194, %select_n3A_181 : vector<512x128xf32>
    %select_n3A_199 = arith.select %lt3A_198, %select_n3A_181, %select_n3A_194 : vector<512x128xi1>, vector<512x128xf32>
    %select_n3A_200 = arith.select %lt3A_198, %select_n3A_182, %select_n3A_195 : vector<512x128xi1>, vector<512x128xi32>
    %select_n3A_201 = arith.select %lt3A_198, %select_n3A_194, %select_n3A_181 : vector<512x128xi1>, vector<512x128xf32>
    %select_n3A_202 = arith.select %lt3A_198, %select_n3A_195, %select_n3A_182 : vector<512x128xi1>, vector<512x128xi32>
    %lt3A_203 = arith.cmpf olt, %select_n3A_199, %select_n3A_184 : vector<512x128xf32>
    %select_n3A_204 = arith.select %lt3A_203, %select_n3A_199, %select_n3A_184 : vector<512x128xi1>, vector<512x128xf32>
    %select_n3A_205 = arith.select %lt3A_203, %select_n3A_200, %select_n3A_185 : vector<512x128xi1>, vector<512x128xi32>
    %broadcast_in_dim3A_206 = arith.constant 7 : i32
    %broadcast_in_dim3A_207 = vector.broadcast %broadcast_in_dim3A_206 : i32 to vector<512x128xi32>
    %lt3A_208 = arith.cmpf olt, %slice3A_60, %select_n3A_191 : vector<512x128xf32>
    %select_n3A_209 = arith.select %lt3A_208, %select_n3A_191, %slice3A_60 : vector<512x128xi1>, vector<512x128xf32>
    %select_n3A_210 = arith.select %lt3A_208, %select_n3A_192, %broadcast_in_dim3A_207 : vector<512x128xi1>, vector<512x128xi32>
    %select_n3A_211 = arith.select %lt3A_208, %slice3A_60, %select_n3A_191 : vector<512x128xi1>, vector<512x128xf32>
    %select_n3A_212 = arith.select %lt3A_208, %broadcast_in_dim3A_207, %select_n3A_192 : vector<512x128xi1>, vector<512x128xi32>
    %lt3A_213 = arith.cmpf olt, %select_n3A_209, %select_n3A_196 : vector<512x128xf32>
    %select_n3A_214 = arith.select %lt3A_213, %select_n3A_196, %select_n3A_209 : vector<512x128xi1>, vector<512x128xf32>
    %select_n3A_215 = arith.select %lt3A_213, %select_n3A_197, %select_n3A_210 : vector<512x128xi1>, vector<512x128xi32>
    %select_n3A_216 = arith.select %lt3A_213, %select_n3A_209, %select_n3A_196 : vector<512x128xi1>, vector<512x128xf32>
    %select_n3A_217 = arith.select %lt3A_213, %select_n3A_210, %select_n3A_197 : vector<512x128xi1>, vector<512x128xi32>
    %lt3A_218 = arith.cmpf olt, %select_n3A_214, %select_n3A_201 : vector<512x128xf32>
    %select_n3A_219 = arith.select %lt3A_218, %select_n3A_201, %select_n3A_214 : vector<512x128xi1>, vector<512x128xf32>
    %select_n3A_220 = arith.select %lt3A_218, %select_n3A_202, %select_n3A_215 : vector<512x128xi1>, vector<512x128xi32>
    %select_n3A_221 = arith.select %lt3A_218, %select_n3A_214, %select_n3A_201 : vector<512x128xi1>, vector<512x128xf32>
    %select_n3A_222 = arith.select %lt3A_218, %select_n3A_215, %select_n3A_202 : vector<512x128xi1>, vector<512x128xi32>
    %lt3A_223 = arith.cmpf olt, %select_n3A_219, %select_n3A_204 : vector<512x128xf32>
    %select_n3A_224 = arith.select %lt3A_223, %select_n3A_219, %select_n3A_204 : vector<512x128xi1>, vector<512x128xf32>
    %select_n3A_225 = arith.select %lt3A_223, %select_n3A_220, %select_n3A_205 : vector<512x128xi1>, vector<512x128xi32>
    %broadcast_in_dim3A_226 = arith.constant 8 : i32
    %broadcast_in_dim3A_227 = vector.broadcast %broadcast_in_dim3A_226 : i32 to vector<512x128xi32>
    %lt3A_228 = arith.cmpf olt, %slice3A_61, %select_n3A_211 : vector<512x128xf32>
    %select_n3A_229 = arith.select %lt3A_228, %select_n3A_211, %slice3A_61 : vector<512x128xi1>, vector<512x128xf32>
    %select_n3A_230 = arith.select %lt3A_228, %select_n3A_212, %broadcast_in_dim3A_227 : vector<512x128xi1>, vector<512x128xi32>
    %select_n3A_231 = arith.select %lt3A_228, %slice3A_61, %select_n3A_211 : vector<512x128xi1>, vector<512x128xf32>
    %select_n3A_232 = arith.select %lt3A_228, %broadcast_in_dim3A_227, %select_n3A_212 : vector<512x128xi1>, vector<512x128xi32>
    %lt3A_233 = arith.cmpf olt, %select_n3A_229, %select_n3A_216 : vector<512x128xf32>
    %select_n3A_234 = arith.select %lt3A_233, %select_n3A_216, %select_n3A_229 : vector<512x128xi1>, vector<512x128xf32>
    %select_n3A_235 = arith.select %lt3A_233, %select_n3A_217, %select_n3A_230 : vector<512x128xi1>, vector<512x128xi32>
    %select_n3A_236 = arith.select %lt3A_233, %select_n3A_229, %select_n3A_216 : vector<512x128xi1>, vector<512x128xf32>
    %select_n3A_237 = arith.select %lt3A_233, %select_n3A_230, %select_n3A_217 : vector<512x128xi1>, vector<512x128xi32>
    %lt3A_238 = arith.cmpf olt, %select_n3A_234, %select_n3A_221 : vector<512x128xf32>
    %select_n3A_239 = arith.select %lt3A_238, %select_n3A_221, %select_n3A_234 : vector<512x128xi1>, vector<512x128xf32>
    %select_n3A_240 = arith.select %lt3A_238, %select_n3A_222, %select_n3A_235 : vector<512x128xi1>, vector<512x128xi32>
    %select_n3A_241 = arith.select %lt3A_238, %select_n3A_234, %select_n3A_221 : vector<512x128xi1>, vector<512x128xf32>
    %select_n3A_242 = arith.select %lt3A_238, %select_n3A_235, %select_n3A_222 : vector<512x128xi1>, vector<512x128xi32>
    %lt3A_243 = arith.cmpf olt, %select_n3A_239, %select_n3A_224 : vector<512x128xf32>
    %select_n3A_244 = arith.select %lt3A_243, %select_n3A_239, %select_n3A_224 : vector<512x128xi1>, vector<512x128xf32>
    %select_n3A_245 = arith.select %lt3A_243, %select_n3A_240, %select_n3A_225 : vector<512x128xi1>, vector<512x128xi32>
    %broadcast_in_dim3A_246 = arith.constant 9 : i32
    %broadcast_in_dim3A_247 = vector.broadcast %broadcast_in_dim3A_246 : i32 to vector<512x128xi32>
    %lt3A_248 = arith.cmpf olt, %slice3A_62, %select_n3A_231 : vector<512x128xf32>
    %select_n3A_249 = arith.select %lt3A_248, %select_n3A_231, %slice3A_62 : vector<512x128xi1>, vector<512x128xf32>
    %select_n3A_250 = arith.select %lt3A_248, %select_n3A_232, %broadcast_in_dim3A_247 : vector<512x128xi1>, vector<512x128xi32>
    %select_n3A_251 = arith.select %lt3A_248, %slice3A_62, %select_n3A_231 : vector<512x128xi1>, vector<512x128xf32>
    %select_n3A_252 = arith.select %lt3A_248, %broadcast_in_dim3A_247, %select_n3A_232 : vector<512x128xi1>, vector<512x128xi32>
    %lt3A_253 = arith.cmpf olt, %select_n3A_249, %select_n3A_236 : vector<512x128xf32>
    %select_n3A_254 = arith.select %lt3A_253, %select_n3A_236, %select_n3A_249 : vector<512x128xi1>, vector<512x128xf32>
    %select_n3A_255 = arith.select %lt3A_253, %select_n3A_237, %select_n3A_250 : vector<512x128xi1>, vector<512x128xi32>
    %select_n3A_256 = arith.select %lt3A_253, %select_n3A_249, %select_n3A_236 : vector<512x128xi1>, vector<512x128xf32>
    %select_n3A_257 = arith.select %lt3A_253, %select_n3A_250, %select_n3A_237 : vector<512x128xi1>, vector<512x128xi32>
    %lt3A_258 = arith.cmpf olt, %select_n3A_254, %select_n3A_241 : vector<512x128xf32>
    %select_n3A_259 = arith.select %lt3A_258, %select_n3A_241, %select_n3A_254 : vector<512x128xi1>, vector<512x128xf32>
    %select_n3A_260 = arith.select %lt3A_258, %select_n3A_242, %select_n3A_255 : vector<512x128xi1>, vector<512x128xi32>
    %select_n3A_261 = arith.select %lt3A_258, %select_n3A_254, %select_n3A_241 : vector<512x128xi1>, vector<512x128xf32>
    %select_n3A_262 = arith.select %lt3A_258, %select_n3A_255, %select_n3A_242 : vector<512x128xi1>, vector<512x128xi32>
    %lt3A_263 = arith.cmpf olt, %select_n3A_259, %select_n3A_244 : vector<512x128xf32>
    %select_n3A_264 = arith.select %lt3A_263, %select_n3A_259, %select_n3A_244 : vector<512x128xi1>, vector<512x128xf32>
    %select_n3A_265 = arith.select %lt3A_263, %select_n3A_260, %select_n3A_245 : vector<512x128xi1>, vector<512x128xi32>
    %broadcast_in_dim3A_266 = arith.constant 10 : i32
    %broadcast_in_dim3A_267 = vector.broadcast %broadcast_in_dim3A_266 : i32 to vector<512x128xi32>
    %lt3A_268 = arith.cmpf olt, %slice3A_63, %select_n3A_251 : vector<512x128xf32>
    %select_n3A_269 = arith.select %lt3A_268, %select_n3A_251, %slice3A_63 : vector<512x128xi1>, vector<512x128xf32>
    %select_n3A_270 = arith.select %lt3A_268, %select_n3A_252, %broadcast_in_dim3A_267 : vector<512x128xi1>, vector<512x128xi32>
    %select_n3A_271 = arith.select %lt3A_268, %slice3A_63, %select_n3A_251 : vector<512x128xi1>, vector<512x128xf32>
    %select_n3A_272 = arith.select %lt3A_268, %broadcast_in_dim3A_267, %select_n3A_252 : vector<512x128xi1>, vector<512x128xi32>
    %lt3A_273 = arith.cmpf olt, %select_n3A_269, %select_n3A_256 : vector<512x128xf32>
    %select_n3A_274 = arith.select %lt3A_273, %select_n3A_256, %select_n3A_269 : vector<512x128xi1>, vector<512x128xf32>
    %select_n3A_275 = arith.select %lt3A_273, %select_n3A_257, %select_n3A_270 : vector<512x128xi1>, vector<512x128xi32>
    %select_n3A_276 = arith.select %lt3A_273, %select_n3A_269, %select_n3A_256 : vector<512x128xi1>, vector<512x128xf32>
    %select_n3A_277 = arith.select %lt3A_273, %select_n3A_270, %select_n3A_257 : vector<512x128xi1>, vector<512x128xi32>
    %lt3A_278 = arith.cmpf olt, %select_n3A_274, %select_n3A_261 : vector<512x128xf32>
    %select_n3A_279 = arith.select %lt3A_278, %select_n3A_261, %select_n3A_274 : vector<512x128xi1>, vector<512x128xf32>
    %select_n3A_280 = arith.select %lt3A_278, %select_n3A_262, %select_n3A_275 : vector<512x128xi1>, vector<512x128xi32>
    %select_n3A_281 = arith.select %lt3A_278, %select_n3A_274, %select_n3A_261 : vector<512x128xi1>, vector<512x128xf32>
    %select_n3A_282 = arith.select %lt3A_278, %select_n3A_275, %select_n3A_262 : vector<512x128xi1>, vector<512x128xi32>
    %lt3A_283 = arith.cmpf olt, %select_n3A_279, %select_n3A_264 : vector<512x128xf32>
    %select_n3A_284 = arith.select %lt3A_283, %select_n3A_279, %select_n3A_264 : vector<512x128xi1>, vector<512x128xf32>
    %select_n3A_285 = arith.select %lt3A_283, %select_n3A_280, %select_n3A_265 : vector<512x128xi1>, vector<512x128xi32>
    %broadcast_in_dim3A_286 = arith.constant 11 : i32
    %broadcast_in_dim3A_287 = vector.broadcast %broadcast_in_dim3A_286 : i32 to vector<512x128xi32>
    %lt3A_288 = arith.cmpf olt, %slice3A_64, %select_n3A_271 : vector<512x128xf32>
    %select_n3A_289 = arith.select %lt3A_288, %select_n3A_271, %slice3A_64 : vector<512x128xi1>, vector<512x128xf32>
    %select_n3A_290 = arith.select %lt3A_288, %select_n3A_272, %broadcast_in_dim3A_287 : vector<512x128xi1>, vector<512x128xi32>
    %select_n3A_291 = arith.select %lt3A_288, %slice3A_64, %select_n3A_271 : vector<512x128xi1>, vector<512x128xf32>
    %select_n3A_292 = arith.select %lt3A_288, %broadcast_in_dim3A_287, %select_n3A_272 : vector<512x128xi1>, vector<512x128xi32>
    %lt3A_293 = arith.cmpf olt, %select_n3A_289, %select_n3A_276 : vector<512x128xf32>
    %select_n3A_294 = arith.select %lt3A_293, %select_n3A_276, %select_n3A_289 : vector<512x128xi1>, vector<512x128xf32>
    %select_n3A_295 = arith.select %lt3A_293, %select_n3A_277, %select_n3A_290 : vector<512x128xi1>, vector<512x128xi32>
    %select_n3A_296 = arith.select %lt3A_293, %select_n3A_289, %select_n3A_276 : vector<512x128xi1>, vector<512x128xf32>
    %select_n3A_297 = arith.select %lt3A_293, %select_n3A_290, %select_n3A_277 : vector<512x128xi1>, vector<512x128xi32>
    %lt3A_298 = arith.cmpf olt, %select_n3A_294, %select_n3A_281 : vector<512x128xf32>
    %select_n3A_299 = arith.select %lt3A_298, %select_n3A_281, %select_n3A_294 : vector<512x128xi1>, vector<512x128xf32>
    %select_n3A_300 = arith.select %lt3A_298, %select_n3A_282, %select_n3A_295 : vector<512x128xi1>, vector<512x128xi32>
    %select_n3A_301 = arith.select %lt3A_298, %select_n3A_294, %select_n3A_281 : vector<512x128xi1>, vector<512x128xf32>
    %select_n3A_302 = arith.select %lt3A_298, %select_n3A_295, %select_n3A_282 : vector<512x128xi1>, vector<512x128xi32>
    %lt3A_303 = arith.cmpf olt, %select_n3A_299, %select_n3A_284 : vector<512x128xf32>
    %select_n3A_304 = arith.select %lt3A_303, %select_n3A_299, %select_n3A_284 : vector<512x128xi1>, vector<512x128xf32>
    %select_n3A_305 = arith.select %lt3A_303, %select_n3A_300, %select_n3A_285 : vector<512x128xi1>, vector<512x128xi32>
    %broadcast_in_dim3A_306 = arith.constant 12 : i32
    %broadcast_in_dim3A_307 = vector.broadcast %broadcast_in_dim3A_306 : i32 to vector<512x128xi32>
    %lt3A_308 = arith.cmpf olt, %slice3A_65, %select_n3A_291 : vector<512x128xf32>
    %select_n3A_309 = arith.select %lt3A_308, %select_n3A_291, %slice3A_65 : vector<512x128xi1>, vector<512x128xf32>
    %select_n3A_310 = arith.select %lt3A_308, %select_n3A_292, %broadcast_in_dim3A_307 : vector<512x128xi1>, vector<512x128xi32>
    %select_n3A_311 = arith.select %lt3A_308, %slice3A_65, %select_n3A_291 : vector<512x128xi1>, vector<512x128xf32>
    %select_n3A_312 = arith.select %lt3A_308, %broadcast_in_dim3A_307, %select_n3A_292 : vector<512x128xi1>, vector<512x128xi32>
    %lt3A_313 = arith.cmpf olt, %select_n3A_309, %select_n3A_296 : vector<512x128xf32>
    %select_n3A_314 = arith.select %lt3A_313, %select_n3A_296, %select_n3A_309 : vector<512x128xi1>, vector<512x128xf32>
    %select_n3A_315 = arith.select %lt3A_313, %select_n3A_297, %select_n3A_310 : vector<512x128xi1>, vector<512x128xi32>
    %select_n3A_316 = arith.select %lt3A_313, %select_n3A_309, %select_n3A_296 : vector<512x128xi1>, vector<512x128xf32>
    %select_n3A_317 = arith.select %lt3A_313, %select_n3A_310, %select_n3A_297 : vector<512x128xi1>, vector<512x128xi32>
    %lt3A_318 = arith.cmpf olt, %select_n3A_314, %select_n3A_301 : vector<512x128xf32>
    %select_n3A_319 = arith.select %lt3A_318, %select_n3A_301, %select_n3A_314 : vector<512x128xi1>, vector<512x128xf32>
    %select_n3A_320 = arith.select %lt3A_318, %select_n3A_302, %select_n3A_315 : vector<512x128xi1>, vector<512x128xi32>
    %select_n3A_321 = arith.select %lt3A_318, %select_n3A_314, %select_n3A_301 : vector<512x128xi1>, vector<512x128xf32>
    %select_n3A_322 = arith.select %lt3A_318, %select_n3A_315, %select_n3A_302 : vector<512x128xi1>, vector<512x128xi32>
    %lt3A_323 = arith.cmpf olt, %select_n3A_319, %select_n3A_304 : vector<512x128xf32>
    %select_n3A_324 = arith.select %lt3A_323, %select_n3A_319, %select_n3A_304 : vector<512x128xi1>, vector<512x128xf32>
    %select_n3A_325 = arith.select %lt3A_323, %select_n3A_320, %select_n3A_305 : vector<512x128xi1>, vector<512x128xi32>
    %broadcast_in_dim3A_326 = arith.constant 13 : i32
    %broadcast_in_dim3A_327 = vector.broadcast %broadcast_in_dim3A_326 : i32 to vector<512x128xi32>
    %lt3A_328 = arith.cmpf olt, %slice3A_66, %select_n3A_311 : vector<512x128xf32>
    %select_n3A_329 = arith.select %lt3A_328, %select_n3A_311, %slice3A_66 : vector<512x128xi1>, vector<512x128xf32>
    %select_n3A_330 = arith.select %lt3A_328, %select_n3A_312, %broadcast_in_dim3A_327 : vector<512x128xi1>, vector<512x128xi32>
    %select_n3A_331 = arith.select %lt3A_328, %slice3A_66, %select_n3A_311 : vector<512x128xi1>, vector<512x128xf32>
    %select_n3A_332 = arith.select %lt3A_328, %broadcast_in_dim3A_327, %select_n3A_312 : vector<512x128xi1>, vector<512x128xi32>
    %lt3A_333 = arith.cmpf olt, %select_n3A_329, %select_n3A_316 : vector<512x128xf32>
    %select_n3A_334 = arith.select %lt3A_333, %select_n3A_316, %select_n3A_329 : vector<512x128xi1>, vector<512x128xf32>
    %select_n3A_335 = arith.select %lt3A_333, %select_n3A_317, %select_n3A_330 : vector<512x128xi1>, vector<512x128xi32>
    %select_n3A_336 = arith.select %lt3A_333, %select_n3A_329, %select_n3A_316 : vector<512x128xi1>, vector<512x128xf32>
    %select_n3A_337 = arith.select %lt3A_333, %select_n3A_330, %select_n3A_317 : vector<512x128xi1>, vector<512x128xi32>
    %lt3A_338 = arith.cmpf olt, %select_n3A_334, %select_n3A_321 : vector<512x128xf32>
    %select_n3A_339 = arith.select %lt3A_338, %select_n3A_321, %select_n3A_334 : vector<512x128xi1>, vector<512x128xf32>
    %select_n3A_340 = arith.select %lt3A_338, %select_n3A_322, %select_n3A_335 : vector<512x128xi1>, vector<512x128xi32>
    %select_n3A_341 = arith.select %lt3A_338, %select_n3A_334, %select_n3A_321 : vector<512x128xi1>, vector<512x128xf32>
    %select_n3A_342 = arith.select %lt3A_338, %select_n3A_335, %select_n3A_322 : vector<512x128xi1>, vector<512x128xi32>
    %lt3A_343 = arith.cmpf olt, %select_n3A_339, %select_n3A_324 : vector<512x128xf32>
    %select_n3A_344 = arith.select %lt3A_343, %select_n3A_339, %select_n3A_324 : vector<512x128xi1>, vector<512x128xf32>
    %select_n3A_345 = arith.select %lt3A_343, %select_n3A_340, %select_n3A_325 : vector<512x128xi1>, vector<512x128xi32>
    %broadcast_in_dim3A_346 = arith.constant 14 : i32
    %broadcast_in_dim3A_347 = vector.broadcast %broadcast_in_dim3A_346 : i32 to vector<512x128xi32>
    %lt3A_348 = arith.cmpf olt, %slice3A_67, %select_n3A_331 : vector<512x128xf32>
    %select_n3A_349 = arith.select %lt3A_348, %select_n3A_331, %slice3A_67 : vector<512x128xi1>, vector<512x128xf32>
    %select_n3A_350 = arith.select %lt3A_348, %select_n3A_332, %broadcast_in_dim3A_347 : vector<512x128xi1>, vector<512x128xi32>
    %select_n3A_351 = arith.select %lt3A_348, %slice3A_67, %select_n3A_331 : vector<512x128xi1>, vector<512x128xf32>
    %select_n3A_352 = arith.select %lt3A_348, %broadcast_in_dim3A_347, %select_n3A_332 : vector<512x128xi1>, vector<512x128xi32>
    %lt3A_353 = arith.cmpf olt, %select_n3A_349, %select_n3A_336 : vector<512x128xf32>
    %select_n3A_354 = arith.select %lt3A_353, %select_n3A_336, %select_n3A_349 : vector<512x128xi1>, vector<512x128xf32>
    %select_n3A_355 = arith.select %lt3A_353, %select_n3A_337, %select_n3A_350 : vector<512x128xi1>, vector<512x128xi32>
    %select_n3A_356 = arith.select %lt3A_353, %select_n3A_349, %select_n3A_336 : vector<512x128xi1>, vector<512x128xf32>
    %select_n3A_357 = arith.select %lt3A_353, %select_n3A_350, %select_n3A_337 : vector<512x128xi1>, vector<512x128xi32>
    %lt3A_358 = arith.cmpf olt, %select_n3A_354, %select_n3A_341 : vector<512x128xf32>
    %select_n3A_359 = arith.select %lt3A_358, %select_n3A_341, %select_n3A_354 : vector<512x128xi1>, vector<512x128xf32>
    %select_n3A_360 = arith.select %lt3A_358, %select_n3A_342, %select_n3A_355 : vector<512x128xi1>, vector<512x128xi32>
    %select_n3A_361 = arith.select %lt3A_358, %select_n3A_354, %select_n3A_341 : vector<512x128xi1>, vector<512x128xf32>
    %select_n3A_362 = arith.select %lt3A_358, %select_n3A_355, %select_n3A_342 : vector<512x128xi1>, vector<512x128xi32>
    %lt3A_363 = arith.cmpf olt, %select_n3A_359, %select_n3A_344 : vector<512x128xf32>
    %select_n3A_364 = arith.select %lt3A_363, %select_n3A_359, %select_n3A_344 : vector<512x128xi1>, vector<512x128xf32>
    %select_n3A_365 = arith.select %lt3A_363, %select_n3A_360, %select_n3A_345 : vector<512x128xi1>, vector<512x128xi32>
    %broadcast_in_dim3A_366 = arith.constant 15 : i32
    %broadcast_in_dim3A_367 = vector.broadcast %broadcast_in_dim3A_366 : i32 to vector<512x128xi32>
    %lt3A_368 = arith.cmpf olt, %slice3A_68, %select_n3A_351 : vector<512x128xf32>
    %select_n3A_369 = arith.select %lt3A_368, %select_n3A_351, %slice3A_68 : vector<512x128xi1>, vector<512x128xf32>
    %select_n3A_370 = arith.select %lt3A_368, %select_n3A_352, %broadcast_in_dim3A_367 : vector<512x128xi1>, vector<512x128xi32>
    %select_n3A_371 = arith.select %lt3A_368, %slice3A_68, %select_n3A_351 : vector<512x128xi1>, vector<512x128xf32>
    %select_n3A_372 = arith.select %lt3A_368, %broadcast_in_dim3A_367, %select_n3A_352 : vector<512x128xi1>, vector<512x128xi32>
    %lt3A_373 = arith.cmpf olt, %select_n3A_369, %select_n3A_356 : vector<512x128xf32>
    %select_n3A_374 = arith.select %lt3A_373, %select_n3A_356, %select_n3A_369 : vector<512x128xi1>, vector<512x128xf32>
    %select_n3A_375 = arith.select %lt3A_373, %select_n3A_357, %select_n3A_370 : vector<512x128xi1>, vector<512x128xi32>
    %select_n3A_376 = arith.select %lt3A_373, %select_n3A_369, %select_n3A_356 : vector<512x128xi1>, vector<512x128xf32>
    %select_n3A_377 = arith.select %lt3A_373, %select_n3A_370, %select_n3A_357 : vector<512x128xi1>, vector<512x128xi32>
    %lt3A_378 = arith.cmpf olt, %select_n3A_374, %select_n3A_361 : vector<512x128xf32>
    %select_n3A_379 = arith.select %lt3A_378, %select_n3A_361, %select_n3A_374 : vector<512x128xi1>, vector<512x128xf32>
    %select_n3A_380 = arith.select %lt3A_378, %select_n3A_362, %select_n3A_375 : vector<512x128xi1>, vector<512x128xi32>
    %select_n3A_381 = arith.select %lt3A_378, %select_n3A_374, %select_n3A_361 : vector<512x128xi1>, vector<512x128xf32>
    %select_n3A_382 = arith.select %lt3A_378, %select_n3A_375, %select_n3A_362 : vector<512x128xi1>, vector<512x128xi32>
    %lt3A_383 = arith.cmpf olt, %select_n3A_379, %select_n3A_364 : vector<512x128xf32>
    %select_n3A_384 = arith.select %lt3A_383, %select_n3A_379, %select_n3A_364 : vector<512x128xi1>, vector<512x128xf32>
    %select_n3A_385 = arith.select %lt3A_383, %select_n3A_380, %select_n3A_365 : vector<512x128xi1>, vector<512x128xi32>
    %broadcast_in_dim3A_386 = arith.constant 16 : i32
    %broadcast_in_dim3A_387 = vector.broadcast %broadcast_in_dim3A_386 : i32 to vector<512x128xi32>
    %lt3A_388 = arith.cmpf olt, %slice3A_69, %select_n3A_371 : vector<512x128xf32>
    %select_n3A_389 = arith.select %lt3A_388, %select_n3A_371, %slice3A_69 : vector<512x128xi1>, vector<512x128xf32>
    %select_n3A_390 = arith.select %lt3A_388, %select_n3A_372, %broadcast_in_dim3A_387 : vector<512x128xi1>, vector<512x128xi32>
    %select_n3A_391 = arith.select %lt3A_388, %slice3A_69, %select_n3A_371 : vector<512x128xi1>, vector<512x128xf32>
    %select_n3A_392 = arith.select %lt3A_388, %broadcast_in_dim3A_387, %select_n3A_372 : vector<512x128xi1>, vector<512x128xi32>
    %lt3A_393 = arith.cmpf olt, %select_n3A_389, %select_n3A_376 : vector<512x128xf32>
    %select_n3A_394 = arith.select %lt3A_393, %select_n3A_376, %select_n3A_389 : vector<512x128xi1>, vector<512x128xf32>
    %select_n3A_395 = arith.select %lt3A_393, %select_n3A_377, %select_n3A_390 : vector<512x128xi1>, vector<512x128xi32>
    %select_n3A_396 = arith.select %lt3A_393, %select_n3A_389, %select_n3A_376 : vector<512x128xi1>, vector<512x128xf32>
    %select_n3A_397 = arith.select %lt3A_393, %select_n3A_390, %select_n3A_377 : vector<512x128xi1>, vector<512x128xi32>
    %lt3A_398 = arith.cmpf olt, %select_n3A_394, %select_n3A_381 : vector<512x128xf32>
    %select_n3A_399 = arith.select %lt3A_398, %select_n3A_381, %select_n3A_394 : vector<512x128xi1>, vector<512x128xf32>
    %select_n3A_400 = arith.select %lt3A_398, %select_n3A_382, %select_n3A_395 : vector<512x128xi1>, vector<512x128xi32>
    %select_n3A_401 = arith.select %lt3A_398, %select_n3A_394, %select_n3A_381 : vector<512x128xi1>, vector<512x128xf32>
    %select_n3A_402 = arith.select %lt3A_398, %select_n3A_395, %select_n3A_382 : vector<512x128xi1>, vector<512x128xi32>
    %lt3A_403 = arith.cmpf olt, %select_n3A_399, %select_n3A_384 : vector<512x128xf32>
    %select_n3A_404 = arith.select %lt3A_403, %select_n3A_399, %select_n3A_384 : vector<512x128xi1>, vector<512x128xf32>
    %select_n3A_405 = arith.select %lt3A_403, %select_n3A_400, %select_n3A_385 : vector<512x128xi1>, vector<512x128xi32>
    %broadcast_in_dim3A_406 = arith.constant 17 : i32
    %broadcast_in_dim3A_407 = vector.broadcast %broadcast_in_dim3A_406 : i32 to vector<512x128xi32>
    %lt3A_408 = arith.cmpf olt, %slice3A_70, %select_n3A_391 : vector<512x128xf32>
    %select_n3A_409 = arith.select %lt3A_408, %select_n3A_391, %slice3A_70 : vector<512x128xi1>, vector<512x128xf32>
    %select_n3A_410 = arith.select %lt3A_408, %select_n3A_392, %broadcast_in_dim3A_407 : vector<512x128xi1>, vector<512x128xi32>
    %select_n3A_411 = arith.select %lt3A_408, %slice3A_70, %select_n3A_391 : vector<512x128xi1>, vector<512x128xf32>
    %select_n3A_412 = arith.select %lt3A_408, %broadcast_in_dim3A_407, %select_n3A_392 : vector<512x128xi1>, vector<512x128xi32>
    %lt3A_413 = arith.cmpf olt, %select_n3A_409, %select_n3A_396 : vector<512x128xf32>
    %select_n3A_414 = arith.select %lt3A_413, %select_n3A_396, %select_n3A_409 : vector<512x128xi1>, vector<512x128xf32>
    %select_n3A_415 = arith.select %lt3A_413, %select_n3A_397, %select_n3A_410 : vector<512x128xi1>, vector<512x128xi32>
    %select_n3A_416 = arith.select %lt3A_413, %select_n3A_409, %select_n3A_396 : vector<512x128xi1>, vector<512x128xf32>
    %select_n3A_417 = arith.select %lt3A_413, %select_n3A_410, %select_n3A_397 : vector<512x128xi1>, vector<512x128xi32>
    %lt3A_418 = arith.cmpf olt, %select_n3A_414, %select_n3A_401 : vector<512x128xf32>
    %select_n3A_419 = arith.select %lt3A_418, %select_n3A_401, %select_n3A_414 : vector<512x128xi1>, vector<512x128xf32>
    %select_n3A_420 = arith.select %lt3A_418, %select_n3A_402, %select_n3A_415 : vector<512x128xi1>, vector<512x128xi32>
    %select_n3A_421 = arith.select %lt3A_418, %select_n3A_414, %select_n3A_401 : vector<512x128xi1>, vector<512x128xf32>
    %select_n3A_422 = arith.select %lt3A_418, %select_n3A_415, %select_n3A_402 : vector<512x128xi1>, vector<512x128xi32>
    %lt3A_423 = arith.cmpf olt, %select_n3A_419, %select_n3A_404 : vector<512x128xf32>
    %select_n3A_424 = arith.select %lt3A_423, %select_n3A_419, %select_n3A_404 : vector<512x128xi1>, vector<512x128xf32>
    %select_n3A_425 = arith.select %lt3A_423, %select_n3A_420, %select_n3A_405 : vector<512x128xi1>, vector<512x128xi32>
    %broadcast_in_dim3A_426 = arith.constant 18 : i32
    %broadcast_in_dim3A_427 = vector.broadcast %broadcast_in_dim3A_426 : i32 to vector<512x128xi32>
    %lt3A_428 = arith.cmpf olt, %slice3A_71, %select_n3A_411 : vector<512x128xf32>
    %select_n3A_429 = arith.select %lt3A_428, %select_n3A_411, %slice3A_71 : vector<512x128xi1>, vector<512x128xf32>
    %select_n3A_430 = arith.select %lt3A_428, %select_n3A_412, %broadcast_in_dim3A_427 : vector<512x128xi1>, vector<512x128xi32>
    %select_n3A_431 = arith.select %lt3A_428, %slice3A_71, %select_n3A_411 : vector<512x128xi1>, vector<512x128xf32>
    %select_n3A_432 = arith.select %lt3A_428, %broadcast_in_dim3A_427, %select_n3A_412 : vector<512x128xi1>, vector<512x128xi32>
    %lt3A_433 = arith.cmpf olt, %select_n3A_429, %select_n3A_416 : vector<512x128xf32>
    %select_n3A_434 = arith.select %lt3A_433, %select_n3A_416, %select_n3A_429 : vector<512x128xi1>, vector<512x128xf32>
    %select_n3A_435 = arith.select %lt3A_433, %select_n3A_417, %select_n3A_430 : vector<512x128xi1>, vector<512x128xi32>
    %select_n3A_436 = arith.select %lt3A_433, %select_n3A_429, %select_n3A_416 : vector<512x128xi1>, vector<512x128xf32>
    %select_n3A_437 = arith.select %lt3A_433, %select_n3A_430, %select_n3A_417 : vector<512x128xi1>, vector<512x128xi32>
    %lt3A_438 = arith.cmpf olt, %select_n3A_434, %select_n3A_421 : vector<512x128xf32>
    %select_n3A_439 = arith.select %lt3A_438, %select_n3A_421, %select_n3A_434 : vector<512x128xi1>, vector<512x128xf32>
    %select_n3A_440 = arith.select %lt3A_438, %select_n3A_422, %select_n3A_435 : vector<512x128xi1>, vector<512x128xi32>
    %select_n3A_441 = arith.select %lt3A_438, %select_n3A_434, %select_n3A_421 : vector<512x128xi1>, vector<512x128xf32>
    %select_n3A_442 = arith.select %lt3A_438, %select_n3A_435, %select_n3A_422 : vector<512x128xi1>, vector<512x128xi32>
    %lt3A_443 = arith.cmpf olt, %select_n3A_439, %select_n3A_424 : vector<512x128xf32>
    %select_n3A_444 = arith.select %lt3A_443, %select_n3A_439, %select_n3A_424 : vector<512x128xi1>, vector<512x128xf32>
    %select_n3A_445 = arith.select %lt3A_443, %select_n3A_440, %select_n3A_425 : vector<512x128xi1>, vector<512x128xi32>
    %broadcast_in_dim3A_446 = arith.constant 19 : i32
    %broadcast_in_dim3A_447 = vector.broadcast %broadcast_in_dim3A_446 : i32 to vector<512x128xi32>
    %lt3A_448 = arith.cmpf olt, %slice3A_72, %select_n3A_431 : vector<512x128xf32>
    %select_n3A_449 = arith.select %lt3A_448, %select_n3A_431, %slice3A_72 : vector<512x128xi1>, vector<512x128xf32>
    %select_n3A_450 = arith.select %lt3A_448, %select_n3A_432, %broadcast_in_dim3A_447 : vector<512x128xi1>, vector<512x128xi32>
    %select_n3A_451 = arith.select %lt3A_448, %slice3A_72, %select_n3A_431 : vector<512x128xi1>, vector<512x128xf32>
    %select_n3A_452 = arith.select %lt3A_448, %broadcast_in_dim3A_447, %select_n3A_432 : vector<512x128xi1>, vector<512x128xi32>
    %lt3A_453 = arith.cmpf olt, %select_n3A_449, %select_n3A_436 : vector<512x128xf32>
    %select_n3A_454 = arith.select %lt3A_453, %select_n3A_436, %select_n3A_449 : vector<512x128xi1>, vector<512x128xf32>
    %select_n3A_455 = arith.select %lt3A_453, %select_n3A_437, %select_n3A_450 : vector<512x128xi1>, vector<512x128xi32>
    %select_n3A_456 = arith.select %lt3A_453, %select_n3A_449, %select_n3A_436 : vector<512x128xi1>, vector<512x128xf32>
    %select_n3A_457 = arith.select %lt3A_453, %select_n3A_450, %select_n3A_437 : vector<512x128xi1>, vector<512x128xi32>
    %lt3A_458 = arith.cmpf olt, %select_n3A_454, %select_n3A_441 : vector<512x128xf32>
    %select_n3A_459 = arith.select %lt3A_458, %select_n3A_441, %select_n3A_454 : vector<512x128xi1>, vector<512x128xf32>
    %select_n3A_460 = arith.select %lt3A_458, %select_n3A_442, %select_n3A_455 : vector<512x128xi1>, vector<512x128xi32>
    %select_n3A_461 = arith.select %lt3A_458, %select_n3A_454, %select_n3A_441 : vector<512x128xi1>, vector<512x128xf32>
    %select_n3A_462 = arith.select %lt3A_458, %select_n3A_455, %select_n3A_442 : vector<512x128xi1>, vector<512x128xi32>
    %lt3A_463 = arith.cmpf olt, %select_n3A_459, %select_n3A_444 : vector<512x128xf32>
    %select_n3A_464 = arith.select %lt3A_463, %select_n3A_459, %select_n3A_444 : vector<512x128xi1>, vector<512x128xf32>
    %select_n3A_465 = arith.select %lt3A_463, %select_n3A_460, %select_n3A_445 : vector<512x128xi1>, vector<512x128xi32>
    %broadcast_in_dim3A_466 = arith.constant 20 : i32
    %broadcast_in_dim3A_467 = vector.broadcast %broadcast_in_dim3A_466 : i32 to vector<512x128xi32>
    %lt3A_468 = arith.cmpf olt, %slice3A_73, %select_n3A_451 : vector<512x128xf32>
    %select_n3A_469 = arith.select %lt3A_468, %select_n3A_451, %slice3A_73 : vector<512x128xi1>, vector<512x128xf32>
    %select_n3A_470 = arith.select %lt3A_468, %select_n3A_452, %broadcast_in_dim3A_467 : vector<512x128xi1>, vector<512x128xi32>
    %select_n3A_471 = arith.select %lt3A_468, %slice3A_73, %select_n3A_451 : vector<512x128xi1>, vector<512x128xf32>
    %select_n3A_472 = arith.select %lt3A_468, %broadcast_in_dim3A_467, %select_n3A_452 : vector<512x128xi1>, vector<512x128xi32>
    %lt3A_473 = arith.cmpf olt, %select_n3A_469, %select_n3A_456 : vector<512x128xf32>
    %select_n3A_474 = arith.select %lt3A_473, %select_n3A_456, %select_n3A_469 : vector<512x128xi1>, vector<512x128xf32>
    %select_n3A_475 = arith.select %lt3A_473, %select_n3A_457, %select_n3A_470 : vector<512x128xi1>, vector<512x128xi32>
    %select_n3A_476 = arith.select %lt3A_473, %select_n3A_469, %select_n3A_456 : vector<512x128xi1>, vector<512x128xf32>
    %select_n3A_477 = arith.select %lt3A_473, %select_n3A_470, %select_n3A_457 : vector<512x128xi1>, vector<512x128xi32>
    %lt3A_478 = arith.cmpf olt, %select_n3A_474, %select_n3A_461 : vector<512x128xf32>
    %select_n3A_479 = arith.select %lt3A_478, %select_n3A_461, %select_n3A_474 : vector<512x128xi1>, vector<512x128xf32>
    %select_n3A_480 = arith.select %lt3A_478, %select_n3A_462, %select_n3A_475 : vector<512x128xi1>, vector<512x128xi32>
    %select_n3A_481 = arith.select %lt3A_478, %select_n3A_474, %select_n3A_461 : vector<512x128xi1>, vector<512x128xf32>
    %select_n3A_482 = arith.select %lt3A_478, %select_n3A_475, %select_n3A_462 : vector<512x128xi1>, vector<512x128xi32>
    %lt3A_483 = arith.cmpf olt, %select_n3A_479, %select_n3A_464 : vector<512x128xf32>
    %select_n3A_484 = arith.select %lt3A_483, %select_n3A_479, %select_n3A_464 : vector<512x128xi1>, vector<512x128xf32>
    %select_n3A_485 = arith.select %lt3A_483, %select_n3A_480, %select_n3A_465 : vector<512x128xi1>, vector<512x128xi32>
    %broadcast_in_dim3A_486 = arith.constant 21 : i32
    %broadcast_in_dim3A_487 = vector.broadcast %broadcast_in_dim3A_486 : i32 to vector<512x128xi32>
    %lt3A_488 = arith.cmpf olt, %slice3A_74, %select_n3A_471 : vector<512x128xf32>
    %select_n3A_489 = arith.select %lt3A_488, %select_n3A_471, %slice3A_74 : vector<512x128xi1>, vector<512x128xf32>
    %select_n3A_490 = arith.select %lt3A_488, %select_n3A_472, %broadcast_in_dim3A_487 : vector<512x128xi1>, vector<512x128xi32>
    %select_n3A_491 = arith.select %lt3A_488, %slice3A_74, %select_n3A_471 : vector<512x128xi1>, vector<512x128xf32>
    %select_n3A_492 = arith.select %lt3A_488, %broadcast_in_dim3A_487, %select_n3A_472 : vector<512x128xi1>, vector<512x128xi32>
    %lt3A_493 = arith.cmpf olt, %select_n3A_489, %select_n3A_476 : vector<512x128xf32>
    %select_n3A_494 = arith.select %lt3A_493, %select_n3A_476, %select_n3A_489 : vector<512x128xi1>, vector<512x128xf32>
    %select_n3A_495 = arith.select %lt3A_493, %select_n3A_477, %select_n3A_490 : vector<512x128xi1>, vector<512x128xi32>
    %select_n3A_496 = arith.select %lt3A_493, %select_n3A_489, %select_n3A_476 : vector<512x128xi1>, vector<512x128xf32>
    %select_n3A_497 = arith.select %lt3A_493, %select_n3A_490, %select_n3A_477 : vector<512x128xi1>, vector<512x128xi32>
    %lt3A_498 = arith.cmpf olt, %select_n3A_494, %select_n3A_481 : vector<512x128xf32>
    %select_n3A_499 = arith.select %lt3A_498, %select_n3A_481, %select_n3A_494 : vector<512x128xi1>, vector<512x128xf32>
    %select_n3A_500 = arith.select %lt3A_498, %select_n3A_482, %select_n3A_495 : vector<512x128xi1>, vector<512x128xi32>
    %select_n3A_501 = arith.select %lt3A_498, %select_n3A_494, %select_n3A_481 : vector<512x128xi1>, vector<512x128xf32>
    %select_n3A_502 = arith.select %lt3A_498, %select_n3A_495, %select_n3A_482 : vector<512x128xi1>, vector<512x128xi32>
    %lt3A_503 = arith.cmpf olt, %select_n3A_499, %select_n3A_484 : vector<512x128xf32>
    %select_n3A_504 = arith.select %lt3A_503, %select_n3A_499, %select_n3A_484 : vector<512x128xi1>, vector<512x128xf32>
    %select_n3A_505 = arith.select %lt3A_503, %select_n3A_500, %select_n3A_485 : vector<512x128xi1>, vector<512x128xi32>
    %broadcast_in_dim3A_506 = arith.constant 22 : i32
    %broadcast_in_dim3A_507 = vector.broadcast %broadcast_in_dim3A_506 : i32 to vector<512x128xi32>
    %lt3A_508 = arith.cmpf olt, %slice3A_75, %select_n3A_491 : vector<512x128xf32>
    %select_n3A_509 = arith.select %lt3A_508, %select_n3A_491, %slice3A_75 : vector<512x128xi1>, vector<512x128xf32>
    %select_n3A_510 = arith.select %lt3A_508, %select_n3A_492, %broadcast_in_dim3A_507 : vector<512x128xi1>, vector<512x128xi32>
    %select_n3A_511 = arith.select %lt3A_508, %slice3A_75, %select_n3A_491 : vector<512x128xi1>, vector<512x128xf32>
    %select_n3A_512 = arith.select %lt3A_508, %broadcast_in_dim3A_507, %select_n3A_492 : vector<512x128xi1>, vector<512x128xi32>
    %lt3A_513 = arith.cmpf olt, %select_n3A_509, %select_n3A_496 : vector<512x128xf32>
    %select_n3A_514 = arith.select %lt3A_513, %select_n3A_496, %select_n3A_509 : vector<512x128xi1>, vector<512x128xf32>
    %select_n3A_515 = arith.select %lt3A_513, %select_n3A_497, %select_n3A_510 : vector<512x128xi1>, vector<512x128xi32>
    %select_n3A_516 = arith.select %lt3A_513, %select_n3A_509, %select_n3A_496 : vector<512x128xi1>, vector<512x128xf32>
    %select_n3A_517 = arith.select %lt3A_513, %select_n3A_510, %select_n3A_497 : vector<512x128xi1>, vector<512x128xi32>
    %lt3A_518 = arith.cmpf olt, %select_n3A_514, %select_n3A_501 : vector<512x128xf32>
    %select_n3A_519 = arith.select %lt3A_518, %select_n3A_501, %select_n3A_514 : vector<512x128xi1>, vector<512x128xf32>
    %select_n3A_520 = arith.select %lt3A_518, %select_n3A_502, %select_n3A_515 : vector<512x128xi1>, vector<512x128xi32>
    %select_n3A_521 = arith.select %lt3A_518, %select_n3A_514, %select_n3A_501 : vector<512x128xi1>, vector<512x128xf32>
    %select_n3A_522 = arith.select %lt3A_518, %select_n3A_515, %select_n3A_502 : vector<512x128xi1>, vector<512x128xi32>
    %lt3A_523 = arith.cmpf olt, %select_n3A_519, %select_n3A_504 : vector<512x128xf32>
    %select_n3A_524 = arith.select %lt3A_523, %select_n3A_519, %select_n3A_504 : vector<512x128xi1>, vector<512x128xf32>
    %select_n3A_525 = arith.select %lt3A_523, %select_n3A_520, %select_n3A_505 : vector<512x128xi1>, vector<512x128xi32>
    %broadcast_in_dim3A_526 = arith.constant 23 : i32
    %broadcast_in_dim3A_527 = vector.broadcast %broadcast_in_dim3A_526 : i32 to vector<512x128xi32>
    %lt3A_528 = arith.cmpf olt, %slice3A_76, %select_n3A_511 : vector<512x128xf32>
    %select_n3A_529 = arith.select %lt3A_528, %select_n3A_511, %slice3A_76 : vector<512x128xi1>, vector<512x128xf32>
    %select_n3A_530 = arith.select %lt3A_528, %select_n3A_512, %broadcast_in_dim3A_527 : vector<512x128xi1>, vector<512x128xi32>
    %select_n3A_531 = arith.select %lt3A_528, %slice3A_76, %select_n3A_511 : vector<512x128xi1>, vector<512x128xf32>
    %select_n3A_532 = arith.select %lt3A_528, %broadcast_in_dim3A_527, %select_n3A_512 : vector<512x128xi1>, vector<512x128xi32>
    %lt3A_533 = arith.cmpf olt, %select_n3A_529, %select_n3A_516 : vector<512x128xf32>
    %select_n3A_534 = arith.select %lt3A_533, %select_n3A_516, %select_n3A_529 : vector<512x128xi1>, vector<512x128xf32>
    %select_n3A_535 = arith.select %lt3A_533, %select_n3A_517, %select_n3A_530 : vector<512x128xi1>, vector<512x128xi32>
    %select_n3A_536 = arith.select %lt3A_533, %select_n3A_529, %select_n3A_516 : vector<512x128xi1>, vector<512x128xf32>
    %select_n3A_537 = arith.select %lt3A_533, %select_n3A_530, %select_n3A_517 : vector<512x128xi1>, vector<512x128xi32>
    %lt3A_538 = arith.cmpf olt, %select_n3A_534, %select_n3A_521 : vector<512x128xf32>
    %select_n3A_539 = arith.select %lt3A_538, %select_n3A_521, %select_n3A_534 : vector<512x128xi1>, vector<512x128xf32>
    %select_n3A_540 = arith.select %lt3A_538, %select_n3A_522, %select_n3A_535 : vector<512x128xi1>, vector<512x128xi32>
    %select_n3A_541 = arith.select %lt3A_538, %select_n3A_534, %select_n3A_521 : vector<512x128xi1>, vector<512x128xf32>
    %select_n3A_542 = arith.select %lt3A_538, %select_n3A_535, %select_n3A_522 : vector<512x128xi1>, vector<512x128xi32>
    %lt3A_543 = arith.cmpf olt, %select_n3A_539, %select_n3A_524 : vector<512x128xf32>
    %select_n3A_544 = arith.select %lt3A_543, %select_n3A_539, %select_n3A_524 : vector<512x128xi1>, vector<512x128xf32>
    %select_n3A_545 = arith.select %lt3A_543, %select_n3A_540, %select_n3A_525 : vector<512x128xi1>, vector<512x128xi32>
    %broadcast_in_dim3A_546 = arith.constant 24 : i32
    %broadcast_in_dim3A_547 = vector.broadcast %broadcast_in_dim3A_546 : i32 to vector<512x128xi32>
    %lt3A_548 = arith.cmpf olt, %slice3A_77, %select_n3A_531 : vector<512x128xf32>
    %select_n3A_549 = arith.select %lt3A_548, %select_n3A_531, %slice3A_77 : vector<512x128xi1>, vector<512x128xf32>
    %select_n3A_550 = arith.select %lt3A_548, %select_n3A_532, %broadcast_in_dim3A_547 : vector<512x128xi1>, vector<512x128xi32>
    %select_n3A_551 = arith.select %lt3A_548, %slice3A_77, %select_n3A_531 : vector<512x128xi1>, vector<512x128xf32>
    %select_n3A_552 = arith.select %lt3A_548, %broadcast_in_dim3A_547, %select_n3A_532 : vector<512x128xi1>, vector<512x128xi32>
    %lt3A_553 = arith.cmpf olt, %select_n3A_549, %select_n3A_536 : vector<512x128xf32>
    %select_n3A_554 = arith.select %lt3A_553, %select_n3A_536, %select_n3A_549 : vector<512x128xi1>, vector<512x128xf32>
    %select_n3A_555 = arith.select %lt3A_553, %select_n3A_537, %select_n3A_550 : vector<512x128xi1>, vector<512x128xi32>
    %select_n3A_556 = arith.select %lt3A_553, %select_n3A_549, %select_n3A_536 : vector<512x128xi1>, vector<512x128xf32>
    %select_n3A_557 = arith.select %lt3A_553, %select_n3A_550, %select_n3A_537 : vector<512x128xi1>, vector<512x128xi32>
    %lt3A_558 = arith.cmpf olt, %select_n3A_554, %select_n3A_541 : vector<512x128xf32>
    %select_n3A_559 = arith.select %lt3A_558, %select_n3A_541, %select_n3A_554 : vector<512x128xi1>, vector<512x128xf32>
    %select_n3A_560 = arith.select %lt3A_558, %select_n3A_542, %select_n3A_555 : vector<512x128xi1>, vector<512x128xi32>
    %select_n3A_561 = arith.select %lt3A_558, %select_n3A_554, %select_n3A_541 : vector<512x128xi1>, vector<512x128xf32>
    %select_n3A_562 = arith.select %lt3A_558, %select_n3A_555, %select_n3A_542 : vector<512x128xi1>, vector<512x128xi32>
    %lt3A_563 = arith.cmpf olt, %select_n3A_559, %select_n3A_544 : vector<512x128xf32>
    %select_n3A_564 = arith.select %lt3A_563, %select_n3A_559, %select_n3A_544 : vector<512x128xi1>, vector<512x128xf32>
    %select_n3A_565 = arith.select %lt3A_563, %select_n3A_560, %select_n3A_545 : vector<512x128xi1>, vector<512x128xi32>
    %broadcast_in_dim3A_566 = arith.constant 25 : i32
    %broadcast_in_dim3A_567 = vector.broadcast %broadcast_in_dim3A_566 : i32 to vector<512x128xi32>
    %lt3A_568 = arith.cmpf olt, %slice3A_78, %select_n3A_551 : vector<512x128xf32>
    %select_n3A_569 = arith.select %lt3A_568, %select_n3A_551, %slice3A_78 : vector<512x128xi1>, vector<512x128xf32>
    %select_n3A_570 = arith.select %lt3A_568, %select_n3A_552, %broadcast_in_dim3A_567 : vector<512x128xi1>, vector<512x128xi32>
    %select_n3A_571 = arith.select %lt3A_568, %slice3A_78, %select_n3A_551 : vector<512x128xi1>, vector<512x128xf32>
    %select_n3A_572 = arith.select %lt3A_568, %broadcast_in_dim3A_567, %select_n3A_552 : vector<512x128xi1>, vector<512x128xi32>
    %lt3A_573 = arith.cmpf olt, %select_n3A_569, %select_n3A_556 : vector<512x128xf32>
    %select_n3A_574 = arith.select %lt3A_573, %select_n3A_556, %select_n3A_569 : vector<512x128xi1>, vector<512x128xf32>
    %select_n3A_575 = arith.select %lt3A_573, %select_n3A_557, %select_n3A_570 : vector<512x128xi1>, vector<512x128xi32>
    %select_n3A_576 = arith.select %lt3A_573, %select_n3A_569, %select_n3A_556 : vector<512x128xi1>, vector<512x128xf32>
    %select_n3A_577 = arith.select %lt3A_573, %select_n3A_570, %select_n3A_557 : vector<512x128xi1>, vector<512x128xi32>
    %lt3A_578 = arith.cmpf olt, %select_n3A_574, %select_n3A_561 : vector<512x128xf32>
    %select_n3A_579 = arith.select %lt3A_578, %select_n3A_561, %select_n3A_574 : vector<512x128xi1>, vector<512x128xf32>
    %select_n3A_580 = arith.select %lt3A_578, %select_n3A_562, %select_n3A_575 : vector<512x128xi1>, vector<512x128xi32>
    %select_n3A_581 = arith.select %lt3A_578, %select_n3A_574, %select_n3A_561 : vector<512x128xi1>, vector<512x128xf32>
    %select_n3A_582 = arith.select %lt3A_578, %select_n3A_575, %select_n3A_562 : vector<512x128xi1>, vector<512x128xi32>
    %lt3A_583 = arith.cmpf olt, %select_n3A_579, %select_n3A_564 : vector<512x128xf32>
    %select_n3A_584 = arith.select %lt3A_583, %select_n3A_579, %select_n3A_564 : vector<512x128xi1>, vector<512x128xf32>
    %select_n3A_585 = arith.select %lt3A_583, %select_n3A_580, %select_n3A_565 : vector<512x128xi1>, vector<512x128xi32>
    %broadcast_in_dim3A_586 = arith.constant 26 : i32
    %broadcast_in_dim3A_587 = vector.broadcast %broadcast_in_dim3A_586 : i32 to vector<512x128xi32>
    %lt3A_588 = arith.cmpf olt, %slice3A_79, %select_n3A_571 : vector<512x128xf32>
    %select_n3A_589 = arith.select %lt3A_588, %select_n3A_571, %slice3A_79 : vector<512x128xi1>, vector<512x128xf32>
    %select_n3A_590 = arith.select %lt3A_588, %select_n3A_572, %broadcast_in_dim3A_587 : vector<512x128xi1>, vector<512x128xi32>
    %select_n3A_591 = arith.select %lt3A_588, %slice3A_79, %select_n3A_571 : vector<512x128xi1>, vector<512x128xf32>
    %select_n3A_592 = arith.select %lt3A_588, %broadcast_in_dim3A_587, %select_n3A_572 : vector<512x128xi1>, vector<512x128xi32>
    %lt3A_593 = arith.cmpf olt, %select_n3A_589, %select_n3A_576 : vector<512x128xf32>
    %select_n3A_594 = arith.select %lt3A_593, %select_n3A_576, %select_n3A_589 : vector<512x128xi1>, vector<512x128xf32>
    %select_n3A_595 = arith.select %lt3A_593, %select_n3A_577, %select_n3A_590 : vector<512x128xi1>, vector<512x128xi32>
    %select_n3A_596 = arith.select %lt3A_593, %select_n3A_589, %select_n3A_576 : vector<512x128xi1>, vector<512x128xf32>
    %select_n3A_597 = arith.select %lt3A_593, %select_n3A_590, %select_n3A_577 : vector<512x128xi1>, vector<512x128xi32>
    %lt3A_598 = arith.cmpf olt, %select_n3A_594, %select_n3A_581 : vector<512x128xf32>
    %select_n3A_599 = arith.select %lt3A_598, %select_n3A_581, %select_n3A_594 : vector<512x128xi1>, vector<512x128xf32>
    %select_n3A_600 = arith.select %lt3A_598, %select_n3A_582, %select_n3A_595 : vector<512x128xi1>, vector<512x128xi32>
    %select_n3A_601 = arith.select %lt3A_598, %select_n3A_594, %select_n3A_581 : vector<512x128xi1>, vector<512x128xf32>
    %select_n3A_602 = arith.select %lt3A_598, %select_n3A_595, %select_n3A_582 : vector<512x128xi1>, vector<512x128xi32>
    %lt3A_603 = arith.cmpf olt, %select_n3A_599, %select_n3A_584 : vector<512x128xf32>
    %select_n3A_604 = arith.select %lt3A_603, %select_n3A_599, %select_n3A_584 : vector<512x128xi1>, vector<512x128xf32>
    %select_n3A_605 = arith.select %lt3A_603, %select_n3A_600, %select_n3A_585 : vector<512x128xi1>, vector<512x128xi32>
    %broadcast_in_dim3A_606 = arith.constant 27 : i32
    %broadcast_in_dim3A_607 = vector.broadcast %broadcast_in_dim3A_606 : i32 to vector<512x128xi32>
    %lt3A_608 = arith.cmpf olt, %slice3A_80, %select_n3A_591 : vector<512x128xf32>
    %select_n3A_609 = arith.select %lt3A_608, %select_n3A_591, %slice3A_80 : vector<512x128xi1>, vector<512x128xf32>
    %select_n3A_610 = arith.select %lt3A_608, %select_n3A_592, %broadcast_in_dim3A_607 : vector<512x128xi1>, vector<512x128xi32>
    %select_n3A_611 = arith.select %lt3A_608, %slice3A_80, %select_n3A_591 : vector<512x128xi1>, vector<512x128xf32>
    %select_n3A_612 = arith.select %lt3A_608, %broadcast_in_dim3A_607, %select_n3A_592 : vector<512x128xi1>, vector<512x128xi32>
    %lt3A_613 = arith.cmpf olt, %select_n3A_609, %select_n3A_596 : vector<512x128xf32>
    %select_n3A_614 = arith.select %lt3A_613, %select_n3A_596, %select_n3A_609 : vector<512x128xi1>, vector<512x128xf32>
    %select_n3A_615 = arith.select %lt3A_613, %select_n3A_597, %select_n3A_610 : vector<512x128xi1>, vector<512x128xi32>
    %select_n3A_616 = arith.select %lt3A_613, %select_n3A_609, %select_n3A_596 : vector<512x128xi1>, vector<512x128xf32>
    %select_n3A_617 = arith.select %lt3A_613, %select_n3A_610, %select_n3A_597 : vector<512x128xi1>, vector<512x128xi32>
    %lt3A_618 = arith.cmpf olt, %select_n3A_614, %select_n3A_601 : vector<512x128xf32>
    %select_n3A_619 = arith.select %lt3A_618, %select_n3A_601, %select_n3A_614 : vector<512x128xi1>, vector<512x128xf32>
    %select_n3A_620 = arith.select %lt3A_618, %select_n3A_602, %select_n3A_615 : vector<512x128xi1>, vector<512x128xi32>
    %select_n3A_621 = arith.select %lt3A_618, %select_n3A_614, %select_n3A_601 : vector<512x128xi1>, vector<512x128xf32>
    %select_n3A_622 = arith.select %lt3A_618, %select_n3A_615, %select_n3A_602 : vector<512x128xi1>, vector<512x128xi32>
    %lt3A_623 = arith.cmpf olt, %select_n3A_619, %select_n3A_604 : vector<512x128xf32>
    %select_n3A_624 = arith.select %lt3A_623, %select_n3A_619, %select_n3A_604 : vector<512x128xi1>, vector<512x128xf32>
    %select_n3A_625 = arith.select %lt3A_623, %select_n3A_620, %select_n3A_605 : vector<512x128xi1>, vector<512x128xi32>
    %broadcast_in_dim3A_626 = arith.constant 28 : i32
    %broadcast_in_dim3A_627 = vector.broadcast %broadcast_in_dim3A_626 : i32 to vector<512x128xi32>
    %lt3A_628 = arith.cmpf olt, %slice3A_81, %select_n3A_611 : vector<512x128xf32>
    %select_n3A_629 = arith.select %lt3A_628, %select_n3A_611, %slice3A_81 : vector<512x128xi1>, vector<512x128xf32>
    %select_n3A_630 = arith.select %lt3A_628, %select_n3A_612, %broadcast_in_dim3A_627 : vector<512x128xi1>, vector<512x128xi32>
    %select_n3A_631 = arith.select %lt3A_628, %slice3A_81, %select_n3A_611 : vector<512x128xi1>, vector<512x128xf32>
    %select_n3A_632 = arith.select %lt3A_628, %broadcast_in_dim3A_627, %select_n3A_612 : vector<512x128xi1>, vector<512x128xi32>
    %lt3A_633 = arith.cmpf olt, %select_n3A_629, %select_n3A_616 : vector<512x128xf32>
    %select_n3A_634 = arith.select %lt3A_633, %select_n3A_616, %select_n3A_629 : vector<512x128xi1>, vector<512x128xf32>
    %select_n3A_635 = arith.select %lt3A_633, %select_n3A_617, %select_n3A_630 : vector<512x128xi1>, vector<512x128xi32>
    %select_n3A_636 = arith.select %lt3A_633, %select_n3A_629, %select_n3A_616 : vector<512x128xi1>, vector<512x128xf32>
    %select_n3A_637 = arith.select %lt3A_633, %select_n3A_630, %select_n3A_617 : vector<512x128xi1>, vector<512x128xi32>
    %lt3A_638 = arith.cmpf olt, %select_n3A_634, %select_n3A_621 : vector<512x128xf32>
    %select_n3A_639 = arith.select %lt3A_638, %select_n3A_621, %select_n3A_634 : vector<512x128xi1>, vector<512x128xf32>
    %select_n3A_640 = arith.select %lt3A_638, %select_n3A_622, %select_n3A_635 : vector<512x128xi1>, vector<512x128xi32>
    %select_n3A_641 = arith.select %lt3A_638, %select_n3A_634, %select_n3A_621 : vector<512x128xi1>, vector<512x128xf32>
    %select_n3A_642 = arith.select %lt3A_638, %select_n3A_635, %select_n3A_622 : vector<512x128xi1>, vector<512x128xi32>
    %lt3A_643 = arith.cmpf olt, %select_n3A_639, %select_n3A_624 : vector<512x128xf32>
    %select_n3A_644 = arith.select %lt3A_643, %select_n3A_639, %select_n3A_624 : vector<512x128xi1>, vector<512x128xf32>
    %select_n3A_645 = arith.select %lt3A_643, %select_n3A_640, %select_n3A_625 : vector<512x128xi1>, vector<512x128xi32>
    %broadcast_in_dim3A_646 = arith.constant 29 : i32
    %broadcast_in_dim3A_647 = vector.broadcast %broadcast_in_dim3A_646 : i32 to vector<512x128xi32>
    %lt3A_648 = arith.cmpf olt, %slice3A_82, %select_n3A_631 : vector<512x128xf32>
    %select_n3A_649 = arith.select %lt3A_648, %select_n3A_631, %slice3A_82 : vector<512x128xi1>, vector<512x128xf32>
    %select_n3A_650 = arith.select %lt3A_648, %select_n3A_632, %broadcast_in_dim3A_647 : vector<512x128xi1>, vector<512x128xi32>
    %select_n3A_651 = arith.select %lt3A_648, %slice3A_82, %select_n3A_631 : vector<512x128xi1>, vector<512x128xf32>
    %select_n3A_652 = arith.select %lt3A_648, %broadcast_in_dim3A_647, %select_n3A_632 : vector<512x128xi1>, vector<512x128xi32>
    %lt3A_653 = arith.cmpf olt, %select_n3A_649, %select_n3A_636 : vector<512x128xf32>
    %select_n3A_654 = arith.select %lt3A_653, %select_n3A_636, %select_n3A_649 : vector<512x128xi1>, vector<512x128xf32>
    %select_n3A_655 = arith.select %lt3A_653, %select_n3A_637, %select_n3A_650 : vector<512x128xi1>, vector<512x128xi32>
    %select_n3A_656 = arith.select %lt3A_653, %select_n3A_649, %select_n3A_636 : vector<512x128xi1>, vector<512x128xf32>
    %select_n3A_657 = arith.select %lt3A_653, %select_n3A_650, %select_n3A_637 : vector<512x128xi1>, vector<512x128xi32>
    %lt3A_658 = arith.cmpf olt, %select_n3A_654, %select_n3A_641 : vector<512x128xf32>
    %select_n3A_659 = arith.select %lt3A_658, %select_n3A_641, %select_n3A_654 : vector<512x128xi1>, vector<512x128xf32>
    %select_n3A_660 = arith.select %lt3A_658, %select_n3A_642, %select_n3A_655 : vector<512x128xi1>, vector<512x128xi32>
    %select_n3A_661 = arith.select %lt3A_658, %select_n3A_654, %select_n3A_641 : vector<512x128xi1>, vector<512x128xf32>
    %select_n3A_662 = arith.select %lt3A_658, %select_n3A_655, %select_n3A_642 : vector<512x128xi1>, vector<512x128xi32>
    %lt3A_663 = arith.cmpf olt, %select_n3A_659, %select_n3A_644 : vector<512x128xf32>
    %select_n3A_664 = arith.select %lt3A_663, %select_n3A_659, %select_n3A_644 : vector<512x128xi1>, vector<512x128xf32>
    %select_n3A_665 = arith.select %lt3A_663, %select_n3A_660, %select_n3A_645 : vector<512x128xi1>, vector<512x128xi32>
    %broadcast_in_dim3A_666 = arith.constant 30 : i32
    %broadcast_in_dim3A_667 = vector.broadcast %broadcast_in_dim3A_666 : i32 to vector<512x128xi32>
    %lt3A_668 = arith.cmpf olt, %slice3A_83, %select_n3A_651 : vector<512x128xf32>
    %select_n3A_669 = arith.select %lt3A_668, %select_n3A_651, %slice3A_83 : vector<512x128xi1>, vector<512x128xf32>
    %select_n3A_670 = arith.select %lt3A_668, %select_n3A_652, %broadcast_in_dim3A_667 : vector<512x128xi1>, vector<512x128xi32>
    %select_n3A_671 = arith.select %lt3A_668, %slice3A_83, %select_n3A_651 : vector<512x128xi1>, vector<512x128xf32>
    %select_n3A_672 = arith.select %lt3A_668, %broadcast_in_dim3A_667, %select_n3A_652 : vector<512x128xi1>, vector<512x128xi32>
    %lt3A_673 = arith.cmpf olt, %select_n3A_669, %select_n3A_656 : vector<512x128xf32>
    %select_n3A_674 = arith.select %lt3A_673, %select_n3A_656, %select_n3A_669 : vector<512x128xi1>, vector<512x128xf32>
    %select_n3A_675 = arith.select %lt3A_673, %select_n3A_657, %select_n3A_670 : vector<512x128xi1>, vector<512x128xi32>
    %select_n3A_676 = arith.select %lt3A_673, %select_n3A_669, %select_n3A_656 : vector<512x128xi1>, vector<512x128xf32>
    %select_n3A_677 = arith.select %lt3A_673, %select_n3A_670, %select_n3A_657 : vector<512x128xi1>, vector<512x128xi32>
    %lt3A_678 = arith.cmpf olt, %select_n3A_674, %select_n3A_661 : vector<512x128xf32>
    %select_n3A_679 = arith.select %lt3A_678, %select_n3A_661, %select_n3A_674 : vector<512x128xi1>, vector<512x128xf32>
    %select_n3A_680 = arith.select %lt3A_678, %select_n3A_662, %select_n3A_675 : vector<512x128xi1>, vector<512x128xi32>
    %select_n3A_681 = arith.select %lt3A_678, %select_n3A_674, %select_n3A_661 : vector<512x128xi1>, vector<512x128xf32>
    %select_n3A_682 = arith.select %lt3A_678, %select_n3A_675, %select_n3A_662 : vector<512x128xi1>, vector<512x128xi32>
    %lt3A_683 = arith.cmpf olt, %select_n3A_679, %select_n3A_664 : vector<512x128xf32>
    %select_n3A_684 = arith.select %lt3A_683, %select_n3A_679, %select_n3A_664 : vector<512x128xi1>, vector<512x128xf32>
    %select_n3A_685 = arith.select %lt3A_683, %select_n3A_680, %select_n3A_665 : vector<512x128xi1>, vector<512x128xi32>
    %broadcast_in_dim3A_686 = arith.constant 31 : i32
    %broadcast_in_dim3A_687 = vector.broadcast %broadcast_in_dim3A_686 : i32 to vector<512x128xi32>
    %lt3A_688 = arith.cmpf olt, %slice3A_84, %select_n3A_671 : vector<512x128xf32>
    %select_n3A_689 = arith.select %lt3A_688, %select_n3A_671, %slice3A_84 : vector<512x128xi1>, vector<512x128xf32>
    %select_n3A_690 = arith.select %lt3A_688, %select_n3A_672, %broadcast_in_dim3A_687 : vector<512x128xi1>, vector<512x128xi32>
    %select_n3A_691 = arith.select %lt3A_688, %slice3A_84, %select_n3A_671 : vector<512x128xi1>, vector<512x128xf32>
    %select_n3A_692 = arith.select %lt3A_688, %broadcast_in_dim3A_687, %select_n3A_672 : vector<512x128xi1>, vector<512x128xi32>
    %lt3A_693 = arith.cmpf olt, %select_n3A_689, %select_n3A_676 : vector<512x128xf32>
    %select_n3A_694 = arith.select %lt3A_693, %select_n3A_676, %select_n3A_689 : vector<512x128xi1>, vector<512x128xf32>
    %select_n3A_695 = arith.select %lt3A_693, %select_n3A_677, %select_n3A_690 : vector<512x128xi1>, vector<512x128xi32>
    %select_n3A_696 = arith.select %lt3A_693, %select_n3A_689, %select_n3A_676 : vector<512x128xi1>, vector<512x128xf32>
    %select_n3A_697 = arith.select %lt3A_693, %select_n3A_690, %select_n3A_677 : vector<512x128xi1>, vector<512x128xi32>
    %lt3A_698 = arith.cmpf olt, %select_n3A_694, %select_n3A_681 : vector<512x128xf32>
    %select_n3A_699 = arith.select %lt3A_698, %select_n3A_681, %select_n3A_694 : vector<512x128xi1>, vector<512x128xf32>
    %select_n3A_700 = arith.select %lt3A_698, %select_n3A_682, %select_n3A_695 : vector<512x128xi1>, vector<512x128xi32>
    %select_n3A_701 = arith.select %lt3A_698, %select_n3A_694, %select_n3A_681 : vector<512x128xi1>, vector<512x128xf32>
    %select_n3A_702 = arith.select %lt3A_698, %select_n3A_695, %select_n3A_682 : vector<512x128xi1>, vector<512x128xi32>
    %lt3A_703 = arith.cmpf olt, %select_n3A_699, %select_n3A_684 : vector<512x128xf32>
    %select_n3A_704 = arith.select %lt3A_703, %select_n3A_699, %select_n3A_684 : vector<512x128xi1>, vector<512x128xf32>
    %select_n3A_705 = arith.select %lt3A_703, %select_n3A_700, %select_n3A_685 : vector<512x128xi1>, vector<512x128xi32>
    %iota3A = tpu.iota {dimensions = array<i32: 1>} : vector<512x128xi32>
    %broadcast_in_dim3A_706 = arith.constant 0 : i32
    %broadcast_in_dim3A_707 = vector.broadcast %broadcast_in_dim3A_706 : i32 to vector<512x128xi32>
    %reduce_min3A = arith.constant dense<0x7F800000> : vector<512xf32>
    %reduce_min3A_708 = vector.multi_reduction <minimumf>, %select_n3A_691, %reduce_min3A [1] : vector<512x128xf32> to vector<512xf32>
    %broadcast_in_dim3A_709 = vector.shape_cast %reduce_min3A_708 : vector<512xf32> to vector<512x1xf32>
    %eq3A = vector.broadcast %broadcast_in_dim3A_709 : vector<512x1xf32> to vector<512x128xf32>
    %eq3A_710 = arith.cmpf oeq, %select_n3A_691, %eq3A : vector<512x128xf32>
    %jit3A = arith.constant 128 : i32
    %broadcast_in_dim3A_711 = vector.broadcast %jit3A : i32 to vector<512x128xi32>
    %select_n3A_712 = arith.select %eq3A_710, %iota3A, %broadcast_in_dim3A_711 : vector<512x128xi1>, vector<512x128xi32>
    %reduce_min3A_713 = arith.constant dense<2147483647> : vector<512xi32>
    %reduce_min3A_714 = vector.multi_reduction <minsi>, %select_n3A_712, %reduce_min3A_713 [1] : vector<512x128xi32> to vector<512xi32>
    %broadcast_in_dim3A_715 = vector.shape_cast %reduce_min3A_714 : vector<512xi32> to vector<512x1xi32>
    %eq3A_716 = vector.broadcast %broadcast_in_dim3A_715 : vector<512x1xi32> to vector<512x128xi32>
    %eq3A_717 = arith.cmpi eq, %iota3A, %eq3A_716 : vector<512x128xi32>
    %eq3A_718 = arith.constant 0 : i32
    %eq3A_719 = vector.broadcast %eq3A_718 : i32 to vector<512x128xi32>
    %eq3A_720 = arith.cmpi eq, %broadcast_in_dim3A_707, %eq3A_719 : vector<512x128xi32>
    %eq3A_721 = arith.constant 1 : i32
    %eq3A_722 = vector.broadcast %eq3A_721 : i32 to vector<512x128xi32>
    %eq3A_723 = arith.cmpi eq, %broadcast_in_dim3A_707, %eq3A_722 : vector<512x128xi32>
    %eq3A_724 = arith.constant 2 : i32
    %eq3A_725 = vector.broadcast %eq3A_724 : i32 to vector<512x128xi32>
    %eq3A_726 = arith.cmpi eq, %broadcast_in_dim3A_707, %eq3A_725 : vector<512x128xi32>
    %select_n3A_727 = arith.select %eq3A_726, %select_n3A_702, %select_n3A_705 : vector<512x128xi1>, vector<512x128xi32>
    %select_n3A_728 = arith.select %eq3A_723, %select_n3A_697, %select_n3A_727 : vector<512x128xi1>, vector<512x128xi32>
    %select_n3A_729 = arith.select %eq3A_720, %select_n3A_692, %select_n3A_728 : vector<512x128xi1>, vector<512x128xi32>
    %jit3A_730 = arith.constant 268435456 : i32
    %broadcast_in_dim3A_731 = vector.broadcast %jit3A_730 : i32 to vector<512x128xi32>
    %select_n3A_732 = arith.select %eq3A_717, %select_n3A_729, %broadcast_in_dim3A_731 : vector<512x128xi1>, vector<512x128xi32>
    %reduce_min3A_733 = arith.constant dense<2147483647> : vector<512xi32>
    %reduce_min3A_734 = vector.multi_reduction <minsi>, %select_n3A_732, %reduce_min3A_733 [1] : vector<512x128xi32> to vector<512xi32>
    %broadcast_in_dim3A_735 = vector.shape_cast %reduce_min3A_734 : vector<512xi32> to vector<512x1xi32>
    %mul3A_736 = arith.constant 128 : i32
    %mul3A_737 = vector.broadcast %mul3A_736 : i32 to vector<512x1xi32>
    %mul3A_738 = arith.muli %broadcast_in_dim3A_735, %mul3A_737 : vector<512x1xi32>
    %add3A_739 = arith.addi %mul3A_738, %broadcast_in_dim3A_715 : vector<512x1xi32>
    %swap3A = arith.constant 0 : index
    %swap3A_740 = arith.constant 0 : index
    %swap3A_741 = arith.constant 0 : index
    %swap3A_742 = vector.load %arg5[%swap3A, %swap3A_740, %swap3A_741] : memref<1x512x8xi32, #tpu.memory_space<vmem>>, vector<1x512x1xi32>
    %swap3A_743 = vector.shape_cast %swap3A_742 : vector<1x512x1xi32> to vector<512x1xi32>
    %swap3A_744 = vector.shape_cast %add3A_739 : vector<512x1xi32> to vector<1x512x1xi32>
    tpu.vector_store %arg5[%swap3A, %swap3A_740, %swap3A_741], %swap3A_744 {strides = array<i32>} : memref<1x512x8xi32, #tpu.memory_space<vmem>>, vector<1x512x1xi32>,
    %convert_element_type3A = arith.extui %eq3A_717 : vector<512x128xi1> to vector<512x128xi32>
    %add3A_745 = arith.addi %broadcast_in_dim3A_707, %convert_element_type3A : vector<512x128xi32>
    %eq3A_746 = arith.constant 1 : i32
    %eq3A_747 = vector.broadcast %eq3A_746 : i32 to vector<512x128xi32>
    %eq3A_748 = arith.cmpi eq, %add3A_745, %eq3A_747 : vector<512x128xi32>
    %eq3A_749 = arith.constant 2 : i32
    %eq3A_750 = vector.broadcast %eq3A_749 : i32 to vector<512x128xi32>
    %eq3A_751 = arith.cmpi eq, %add3A_745, %eq3A_750 : vector<512x128xi32>
    %eq3A_752 = arith.constant 3 : i32
    %eq3A_753 = vector.broadcast %eq3A_752 : i32 to vector<512x128xi32>
    %eq3A_754 = arith.cmpi eq, %add3A_745, %eq3A_753 : vector<512x128xi32>
    %jit3A_755 = arith.constant 0x7F800000 : f32
    %broadcast_in_dim3A_756 = vector.broadcast %jit3A_755 : f32 to vector<512x128xf32>
    %select_n3A_757 = arith.select %eq3A_754, %select_n3A_704, %broadcast_in_dim3A_756 : vector<512x128xi1>, vector<512x128xf32>
    %select_n3A_758 = arith.select %eq3A_751, %select_n3A_701, %select_n3A_757 : vector<512x128xi1>, vector<512x128xf32>
    %select_n3A_759 = arith.select %eq3A_748, %select_n3A_696, %select_n3A_758 : vector<512x128xi1>, vector<512x128xf32>
    %select_n3A_760 = arith.select %eq3A_717, %select_n3A_759, %select_n3A_691 : vector<512x128xi1>, vector<512x128xf32>
    %reduce_min3A_761 = arith.constant dense<0x7F800000> : vector<512xf32>
    %reduce_min3A_762 = vector.multi_reduction <minimumf>, %select_n3A_760, %reduce_min3A_761 [1] : vector<512x128xf32> to vector<512xf32>
    %broadcast_in_dim3A_763 = vector.shape_cast %reduce_min3A_762 : vector<512xf32> to vector<512x1xf32>
    %eq3A_764 = vector.broadcast %broadcast_in_dim3A_763 : vector<512x1xf32> to vector<512x128xf32>
    %eq3A_765 = arith.cmpf oeq, %select_n3A_760, %eq3A_764 : vector<512x128xf32>
    %jit3A_766 = arith.constant 128 : i32
    %broadcast_in_dim3A_767 = vector.broadcast %jit3A_766 : i32 to vector<512x128xi32>
    %select_n3A_768 = arith.select %eq3A_765, %iota3A, %broadcast_in_dim3A_767 : vector<512x128xi1>, vector<512x128xi32>
    %reduce_min3A_769 = arith.constant dense<2147483647> : vector<512xi32>
    %reduce_min3A_770 = vector.multi_reduction <minsi>, %select_n3A_768, %reduce_min3A_769 [1] : vector<512x128xi32> to vector<512xi32>
    %broadcast_in_dim3A_771 = vector.shape_cast %reduce_min3A_770 : vector<512xi32> to vector<512x1xi32>
    %eq3A_772 = vector.broadcast %broadcast_in_dim3A_771 : vector<512x1xi32> to vector<512x128xi32>
    %eq3A_773 = arith.cmpi eq, %iota3A, %eq3A_772 : vector<512x128xi32>
    %eq3A_774 = arith.constant 0 : i32
    %eq3A_775 = vector.broadcast %eq3A_774 : i32 to vector<512x128xi32>
    %eq3A_776 = arith.cmpi eq, %add3A_745, %eq3A_775 : vector<512x128xi32>
    %eq3A_777 = arith.constant 1 : i32
    %eq3A_778 = vector.broadcast %eq3A_777 : i32 to vector<512x128xi32>
    %eq3A_779 = arith.cmpi eq, %add3A_745, %eq3A_778 : vector<512x128xi32>
    %eq3A_780 = arith.constant 2 : i32
    %eq3A_781 = vector.broadcast %eq3A_780 : i32 to vector<512x128xi32>
    %eq3A_782 = arith.cmpi eq, %add3A_745, %eq3A_781 : vector<512x128xi32>
    %select_n3A_783 = arith.select %eq3A_782, %select_n3A_702, %select_n3A_705 : vector<512x128xi1>, vector<512x128xi32>
    %select_n3A_784 = arith.select %eq3A_779, %select_n3A_697, %select_n3A_783 : vector<512x128xi1>, vector<512x128xi32>
    %select_n3A_785 = arith.select %eq3A_776, %select_n3A_692, %select_n3A_784 : vector<512x128xi1>, vector<512x128xi32>
    %jit3A_786 = arith.constant 268435456 : i32
    %broadcast_in_dim3A_787 = vector.broadcast %jit3A_786 : i32 to vector<512x128xi32>
    %select_n3A_788 = arith.select %eq3A_773, %select_n3A_785, %broadcast_in_dim3A_787 : vector<512x128xi1>, vector<512x128xi32>
    %reduce_min3A_789 = arith.constant dense<2147483647> : vector<512xi32>
    %reduce_min3A_790 = vector.multi_reduction <minsi>, %select_n3A_788, %reduce_min3A_789 [1] : vector<512x128xi32> to vector<512xi32>
    %broadcast_in_dim3A_791 = vector.shape_cast %reduce_min3A_790 : vector<512xi32> to vector<512x1xi32>
    %mul3A_792 = arith.constant 128 : i32
    %mul3A_793 = vector.broadcast %mul3A_792 : i32 to vector<512x1xi32>
    %mul3A_794 = arith.muli %broadcast_in_dim3A_791, %mul3A_793 : vector<512x1xi32>
    %add3A_795 = arith.addi %mul3A_794, %broadcast_in_dim3A_771 : vector<512x1xi32>
    %swap3A_796 = arith.constant 0 : index
    %swap3A_797 = arith.constant 0 : index
    %swap3A_798 = arith.constant 1 : index
    %swap3A_799 = vector.load %arg5[%swap3A_796, %swap3A_797, %swap3A_798] : memref<1x512x8xi32, #tpu.memory_space<vmem>>, vector<1x512x1xi32>
    %swap3A_800 = vector.shape_cast %swap3A_799 : vector<1x512x1xi32> to vector<512x1xi32>
    %swap3A_801 = vector.shape_cast %add3A_795 : vector<512x1xi32> to vector<1x512x1xi32>
    tpu.vector_store %arg5[%swap3A_796, %swap3A_797, %swap3A_798], %swap3A_801 {strides = array<i32>} : memref<1x512x8xi32, #tpu.memory_space<vmem>>, vector<1x512x1xi32>,
    %convert_element_type3A_802 = arith.extui %eq3A_773 : vector<512x128xi1> to vector<512x128xi32>
    %add3A_803 = arith.addi %add3A_745, %convert_element_type3A_802 : vector<512x128xi32>
    %eq3A_804 = arith.constant 1 : i32
    %eq3A_805 = vector.broadcast %eq3A_804 : i32 to vector<512x128xi32>
    %eq3A_806 = arith.cmpi eq, %add3A_803, %eq3A_805 : vector<512x128xi32>
    %eq3A_807 = arith.constant 2 : i32
    %eq3A_808 = vector.broadcast %eq3A_807 : i32 to vector<512x128xi32>
    %eq3A_809 = arith.cmpi eq, %add3A_803, %eq3A_808 : vector<512x128xi32>
    %eq3A_810 = arith.constant 3 : i32
    %eq3A_811 = vector.broadcast %eq3A_810 : i32 to vector<512x128xi32>
    %eq3A_812 = arith.cmpi eq, %add3A_803, %eq3A_811 : vector<512x128xi32>
    %jit3A_813 = arith.constant 0x7F800000 : f32
    %broadcast_in_dim3A_814 = vector.broadcast %jit3A_813 : f32 to vector<512x128xf32>
    %select_n3A_815 = arith.select %eq3A_812, %select_n3A_704, %broadcast_in_dim3A_814 : vector<512x128xi1>, vector<512x128xf32>
    %select_n3A_816 = arith.select %eq3A_809, %select_n3A_701, %select_n3A_815 : vector<512x128xi1>, vector<512x128xf32>
    %select_n3A_817 = arith.select %eq3A_806, %select_n3A_696, %select_n3A_816 : vector<512x128xi1>, vector<512x128xf32>
    %select_n3A_818 = arith.select %eq3A_773, %select_n3A_817, %select_n3A_760 : vector<512x128xi1>, vector<512x128xf32>
    %reduce_min3A_819 = arith.constant dense<0x7F800000> : vector<512xf32>
    %reduce_min3A_820 = vector.multi_reduction <minimumf>, %select_n3A_818, %reduce_min3A_819 [1] : vector<512x128xf32> to vector<512xf32>
    %broadcast_in_dim3A_821 = vector.shape_cast %reduce_min3A_820 : vector<512xf32> to vector<512x1xf32>
    %eq3A_822 = vector.broadcast %broadcast_in_dim3A_821 : vector<512x1xf32> to vector<512x128xf32>
    %eq3A_823 = arith.cmpf oeq, %select_n3A_818, %eq3A_822 : vector<512x128xf32>
    %jit3A_824 = arith.constant 128 : i32
    %broadcast_in_dim3A_825 = vector.broadcast %jit3A_824 : i32 to vector<512x128xi32>
    %select_n3A_826 = arith.select %eq3A_823, %iota3A, %broadcast_in_dim3A_825 : vector<512x128xi1>, vector<512x128xi32>
    %reduce_min3A_827 = arith.constant dense<2147483647> : vector<512xi32>
    %reduce_min3A_828 = vector.multi_reduction <minsi>, %select_n3A_826, %reduce_min3A_827 [1] : vector<512x128xi32> to vector<512xi32>
    %broadcast_in_dim3A_829 = vector.shape_cast %reduce_min3A_828 : vector<512xi32> to vector<512x1xi32>
    %eq3A_830 = vector.broadcast %broadcast_in_dim3A_829 : vector<512x1xi32> to vector<512x128xi32>
    %eq3A_831 = arith.cmpi eq, %iota3A, %eq3A_830 : vector<512x128xi32>
    %eq3A_832 = arith.constant 0 : i32
    %eq3A_833 = vector.broadcast %eq3A_832 : i32 to vector<512x128xi32>
    %eq3A_834 = arith.cmpi eq, %add3A_803, %eq3A_833 : vector<512x128xi32>
    %eq3A_835 = arith.constant 1 : i32
    %eq3A_836 = vector.broadcast %eq3A_835 : i32 to vector<512x128xi32>
    %eq3A_837 = arith.cmpi eq, %add3A_803, %eq3A_836 : vector<512x128xi32>
    %eq3A_838 = arith.constant 2 : i32
    %eq3A_839 = vector.broadcast %eq3A_838 : i32 to vector<512x128xi32>
    %eq3A_840 = arith.cmpi eq, %add3A_803, %eq3A_839 : vector<512x128xi32>
    %select_n3A_841 = arith.select %eq3A_840, %select_n3A_702, %select_n3A_705 : vector<512x128xi1>, vector<512x128xi32>
    %select_n3A_842 = arith.select %eq3A_837, %select_n3A_697, %select_n3A_841 : vector<512x128xi1>, vector<512x128xi32>
    %select_n3A_843 = arith.select %eq3A_834, %select_n3A_692, %select_n3A_842 : vector<512x128xi1>, vector<512x128xi32>
    %jit3A_844 = arith.constant 268435456 : i32
    %broadcast_in_dim3A_845 = vector.broadcast %jit3A_844 : i32 to vector<512x128xi32>
    %select_n3A_846 = arith.select %eq3A_831, %select_n3A_843, %broadcast_in_dim3A_845 : vector<512x128xi1>, vector<512x128xi32>
    %reduce_min3A_847 = arith.constant dense<2147483647> : vector<512xi32>
    %reduce_min3A_848 = vector.multi_reduction <minsi>, %select_n3A_846, %reduce_min3A_847 [1] : vector<512x128xi32> to vector<512xi32>
    %broadcast_in_dim3A_849 = vector.shape_cast %reduce_min3A_848 : vector<512xi32> to vector<512x1xi32>
    %mul3A_850 = arith.constant 128 : i32
    %mul3A_851 = vector.broadcast %mul3A_850 : i32 to vector<512x1xi32>
    %mul3A_852 = arith.muli %broadcast_in_dim3A_849, %mul3A_851 : vector<512x1xi32>
    %add3A_853 = arith.addi %mul3A_852, %broadcast_in_dim3A_829 : vector<512x1xi32>
    %swap3A_854 = arith.constant 0 : index
    %swap3A_855 = arith.constant 0 : index
    %swap3A_856 = arith.constant 2 : index
    %swap3A_857 = vector.load %arg5[%swap3A_854, %swap3A_855, %swap3A_856] : memref<1x512x8xi32, #tpu.memory_space<vmem>>, vector<1x512x1xi32>
    %swap3A_858 = vector.shape_cast %swap3A_857 : vector<1x512x1xi32> to vector<512x1xi32>
    %swap3A_859 = vector.shape_cast %add3A_853 : vector<512x1xi32> to vector<1x512x1xi32>
    tpu.vector_store %arg5[%swap3A_854, %swap3A_855, %swap3A_856], %swap3A_859 {strides = array<i32>} : memref<1x512x8xi32, #tpu.memory_space<vmem>>, vector<1x512x1xi32>,
    %convert_element_type3A_860 = arith.extui %eq3A_831 : vector<512x128xi1> to vector<512x128xi32>
    %add3A_861 = arith.addi %add3A_803, %convert_element_type3A_860 : vector<512x128xi32>
    %eq3A_862 = arith.constant 1 : i32
    %eq3A_863 = vector.broadcast %eq3A_862 : i32 to vector<512x128xi32>
    %eq3A_864 = arith.cmpi eq, %add3A_861, %eq3A_863 : vector<512x128xi32>
    %eq3A_865 = arith.constant 2 : i32
    %eq3A_866 = vector.broadcast %eq3A_865 : i32 to vector<512x128xi32>
    %eq3A_867 = arith.cmpi eq, %add3A_861, %eq3A_866 : vector<512x128xi32>
    %eq3A_868 = arith.constant 3 : i32
    %eq3A_869 = vector.broadcast %eq3A_868 : i32 to vector<512x128xi32>
    %eq3A_870 = arith.cmpi eq, %add3A_861, %eq3A_869 : vector<512x128xi32>
    %jit3A_871 = arith.constant 0x7F800000 : f32
    %broadcast_in_dim3A_872 = vector.broadcast %jit3A_871 : f32 to vector<512x128xf32>
    %select_n3A_873 = arith.select %eq3A_870, %select_n3A_704, %broadcast_in_dim3A_872 : vector<512x128xi1>, vector<512x128xf32>
    %select_n3A_874 = arith.select %eq3A_867, %select_n3A_701, %select_n3A_873 : vector<512x128xi1>, vector<512x128xf32>
    %select_n3A_875 = arith.select %eq3A_864, %select_n3A_696, %select_n3A_874 : vector<512x128xi1>, vector<512x128xf32>
    %select_n3A_876 = arith.select %eq3A_831, %select_n3A_875, %select_n3A_818 : vector<512x128xi1>, vector<512x128xf32>
    %reduce_min3A_877 = arith.constant dense<0x7F800000> : vector<512xf32>
    %reduce_min3A_878 = vector.multi_reduction <minimumf>, %select_n3A_876, %reduce_min3A_877 [1] : vector<512x128xf32> to vector<512xf32>
    %broadcast_in_dim3A_879 = vector.shape_cast %reduce_min3A_878 : vector<512xf32> to vector<512x1xf32>
    %eq3A_880 = vector.broadcast %broadcast_in_dim3A_879 : vector<512x1xf32> to vector<512x128xf32>
    %eq3A_881 = arith.cmpf oeq, %select_n3A_876, %eq3A_880 : vector<512x128xf32>
    %jit3A_882 = arith.constant 128 : i32
    %broadcast_in_dim3A_883 = vector.broadcast %jit3A_882 : i32 to vector<512x128xi32>
    %select_n3A_884 = arith.select %eq3A_881, %iota3A, %broadcast_in_dim3A_883 : vector<512x128xi1>, vector<512x128xi32>
    %reduce_min3A_885 = arith.constant dense<2147483647> : vector<512xi32>
    %reduce_min3A_886 = vector.multi_reduction <minsi>, %select_n3A_884, %reduce_min3A_885 [1] : vector<512x128xi32> to vector<512xi32>
    %broadcast_in_dim3A_887 = vector.shape_cast %reduce_min3A_886 : vector<512xi32> to vector<512x1xi32>
    %eq3A_888 = vector.broadcast %broadcast_in_dim3A_887 : vector<512x1xi32> to vector<512x128xi32>
    %eq3A_889 = arith.cmpi eq, %iota3A, %eq3A_888 : vector<512x128xi32>
    %eq3A_890 = arith.constant 0 : i32
    %eq3A_891 = vector.broadcast %eq3A_890 : i32 to vector<512x128xi32>
    %eq3A_892 = arith.cmpi eq, %add3A_861, %eq3A_891 : vector<512x128xi32>
    %eq3A_893 = arith.constant 1 : i32
    %eq3A_894 = vector.broadcast %eq3A_893 : i32 to vector<512x128xi32>
    %eq3A_895 = arith.cmpi eq, %add3A_861, %eq3A_894 : vector<512x128xi32>
    %eq3A_896 = arith.constant 2 : i32
    %eq3A_897 = vector.broadcast %eq3A_896 : i32 to vector<512x128xi32>
    %eq3A_898 = arith.cmpi eq, %add3A_861, %eq3A_897 : vector<512x128xi32>
    %select_n3A_899 = arith.select %eq3A_898, %select_n3A_702, %select_n3A_705 : vector<512x128xi1>, vector<512x128xi32>
    %select_n3A_900 = arith.select %eq3A_895, %select_n3A_697, %select_n3A_899 : vector<512x128xi1>, vector<512x128xi32>
    %select_n3A_901 = arith.select %eq3A_892, %select_n3A_692, %select_n3A_900 : vector<512x128xi1>, vector<512x128xi32>
    %jit3A_902 = arith.constant 268435456 : i32
    %broadcast_in_dim3A_903 = vector.broadcast %jit3A_902 : i32 to vector<512x128xi32>
    %select_n3A_904 = arith.select %eq3A_889, %select_n3A_901, %broadcast_in_dim3A_903 : vector<512x128xi1>, vector<512x128xi32>
    %reduce_min3A_905 = arith.constant dense<2147483647> : vector<512xi32>
    %reduce_min3A_906 = vector.multi_reduction <minsi>, %select_n3A_904, %reduce_min3A_905 [1] : vector<512x128xi32> to vector<512xi32>
    %broadcast_in_dim3A_907 = vector.shape_cast %reduce_min3A_906 : vector<512xi32> to vector<512x1xi32>
    %mul3A_908 = arith.constant 128 : i32
    %mul3A_909 = vector.broadcast %mul3A_908 : i32 to vector<512x1xi32>
    %mul3A_910 = arith.muli %broadcast_in_dim3A_907, %mul3A_909 : vector<512x1xi32>
    %add3A_911 = arith.addi %mul3A_910, %broadcast_in_dim3A_887 : vector<512x1xi32>
    %swap3A_912 = arith.constant 0 : index
    %swap3A_913 = arith.constant 0 : index
    %swap3A_914 = arith.constant 3 : index
    %swap3A_915 = vector.load %arg5[%swap3A_912, %swap3A_913, %swap3A_914] : memref<1x512x8xi32, #tpu.memory_space<vmem>>, vector<1x512x1xi32>
    %swap3A_916 = vector.shape_cast %swap3A_915 : vector<1x512x1xi32> to vector<512x1xi32>
    %swap3A_917 = vector.shape_cast %add3A_911 : vector<512x1xi32> to vector<1x512x1xi32>
    tpu.vector_store %arg5[%swap3A_912, %swap3A_913, %swap3A_914], %swap3A_917 {strides = array<i32>} : memref<1x512x8xi32, #tpu.memory_space<vmem>>, vector<1x512x1xi32>,
    %convert_element_type3A_918 = arith.extui %eq3A_889 : vector<512x128xi1> to vector<512x128xi32>
    %add3A_919 = arith.addi %add3A_861, %convert_element_type3A_918 : vector<512x128xi32>
    %eq3A_920 = arith.constant 1 : i32
    %eq3A_921 = vector.broadcast %eq3A_920 : i32 to vector<512x128xi32>
    %eq3A_922 = arith.cmpi eq, %add3A_919, %eq3A_921 : vector<512x128xi32>
    %eq3A_923 = arith.constant 2 : i32
    %eq3A_924 = vector.broadcast %eq3A_923 : i32 to vector<512x128xi32>
    %eq3A_925 = arith.cmpi eq, %add3A_919, %eq3A_924 : vector<512x128xi32>
    %eq3A_926 = arith.constant 3 : i32
    %eq3A_927 = vector.broadcast %eq3A_926 : i32 to vector<512x128xi32>
    %eq3A_928 = arith.cmpi eq, %add3A_919, %eq3A_927 : vector<512x128xi32>
    %jit3A_929 = arith.constant 0x7F800000 : f32
    %broadcast_in_dim3A_930 = vector.broadcast %jit3A_929 : f32 to vector<512x128xf32>
    %select_n3A_931 = arith.select %eq3A_928, %select_n3A_704, %broadcast_in_dim3A_930 : vector<512x128xi1>, vector<512x128xf32>
    %select_n3A_932 = arith.select %eq3A_925, %select_n3A_701, %select_n3A_931 : vector<512x128xi1>, vector<512x128xf32>
    %select_n3A_933 = arith.select %eq3A_922, %select_n3A_696, %select_n3A_932 : vector<512x128xi1>, vector<512x128xf32>
    %select_n3A_934 = arith.select %eq3A_889, %select_n3A_933, %select_n3A_876 : vector<512x128xi1>, vector<512x128xf32>
    %reduce_min3A_935 = arith.constant dense<0x7F800000> : vector<512xf32>
    %reduce_min3A_936 = vector.multi_reduction <minimumf>, %select_n3A_934, %reduce_min3A_935 [1] : vector<512x128xf32> to vector<512xf32>
    %broadcast_in_dim3A_937 = vector.shape_cast %reduce_min3A_936 : vector<512xf32> to vector<512x1xf32>
    %eq3A_938 = vector.broadcast %broadcast_in_dim3A_937 : vector<512x1xf32> to vector<512x128xf32>
    %eq3A_939 = arith.cmpf oeq, %select_n3A_934, %eq3A_938 : vector<512x128xf32>
    %jit3A_940 = arith.constant 128 : i32
    %broadcast_in_dim3A_941 = vector.broadcast %jit3A_940 : i32 to vector<512x128xi32>
    %select_n3A_942 = arith.select %eq3A_939, %iota3A, %broadcast_in_dim3A_941 : vector<512x128xi1>, vector<512x128xi32>
    %reduce_min3A_943 = arith.constant dense<2147483647> : vector<512xi32>
    %reduce_min3A_944 = vector.multi_reduction <minsi>, %select_n3A_942, %reduce_min3A_943 [1] : vector<512x128xi32> to vector<512xi32>
    %broadcast_in_dim3A_945 = vector.shape_cast %reduce_min3A_944 : vector<512xi32> to vector<512x1xi32>
    %eq3A_946 = vector.broadcast %broadcast_in_dim3A_945 : vector<512x1xi32> to vector<512x128xi32>
    %eq3A_947 = arith.cmpi eq, %iota3A, %eq3A_946 : vector<512x128xi32>
    %eq3A_948 = arith.constant 0 : i32
    %eq3A_949 = vector.broadcast %eq3A_948 : i32 to vector<512x128xi32>
    %eq3A_950 = arith.cmpi eq, %add3A_919, %eq3A_949 : vector<512x128xi32>
    %eq3A_951 = arith.constant 1 : i32
    %eq3A_952 = vector.broadcast %eq3A_951 : i32 to vector<512x128xi32>
    %eq3A_953 = arith.cmpi eq, %add3A_919, %eq3A_952 : vector<512x128xi32>
    %eq3A_954 = arith.constant 2 : i32
    %eq3A_955 = vector.broadcast %eq3A_954 : i32 to vector<512x128xi32>
    %eq3A_956 = arith.cmpi eq, %add3A_919, %eq3A_955 : vector<512x128xi32>
    %select_n3A_957 = arith.select %eq3A_956, %select_n3A_702, %select_n3A_705 : vector<512x128xi1>, vector<512x128xi32>
    %select_n3A_958 = arith.select %eq3A_953, %select_n3A_697, %select_n3A_957 : vector<512x128xi1>, vector<512x128xi32>
    %select_n3A_959 = arith.select %eq3A_950, %select_n3A_692, %select_n3A_958 : vector<512x128xi1>, vector<512x128xi32>
    %jit3A_960 = arith.constant 268435456 : i32
    %broadcast_in_dim3A_961 = vector.broadcast %jit3A_960 : i32 to vector<512x128xi32>
    %select_n3A_962 = arith.select %eq3A_947, %select_n3A_959, %broadcast_in_dim3A_961 : vector<512x128xi1>, vector<512x128xi32>
    %reduce_min3A_963 = arith.constant dense<2147483647> : vector<512xi32>
    %reduce_min3A_964 = vector.multi_reduction <minsi>, %select_n3A_962, %reduce_min3A_963 [1] : vector<512x128xi32> to vector<512xi32>
    %broadcast_in_dim3A_965 = vector.shape_cast %reduce_min3A_964 : vector<512xi32> to vector<512x1xi32>
    %mul3A_966 = arith.constant 128 : i32
    %mul3A_967 = vector.broadcast %mul3A_966 : i32 to vector<512x1xi32>
    %mul3A_968 = arith.muli %broadcast_in_dim3A_965, %mul3A_967 : vector<512x1xi32>
    %add3A_969 = arith.addi %mul3A_968, %broadcast_in_dim3A_945 : vector<512x1xi32>
    %swap3A_970 = arith.constant 0 : index
    %swap3A_971 = arith.constant 0 : index
    %swap3A_972 = arith.constant 4 : index
    %swap3A_973 = vector.load %arg5[%swap3A_970, %swap3A_971, %swap3A_972] : memref<1x512x8xi32, #tpu.memory_space<vmem>>, vector<1x512x1xi32>
    %swap3A_974 = vector.shape_cast %swap3A_973 : vector<1x512x1xi32> to vector<512x1xi32>
    %swap3A_975 = vector.shape_cast %add3A_969 : vector<512x1xi32> to vector<1x512x1xi32>
    tpu.vector_store %arg5[%swap3A_970, %swap3A_971, %swap3A_972], %swap3A_975 {strides = array<i32>} : memref<1x512x8xi32, #tpu.memory_space<vmem>>, vector<1x512x1xi32>,
    %convert_element_type3A_976 = arith.extui %eq3A_947 : vector<512x128xi1> to vector<512x128xi32>
    %add3A_977 = arith.addi %add3A_919, %convert_element_type3A_976 : vector<512x128xi32>
    %eq3A_978 = arith.constant 1 : i32
    %eq3A_979 = vector.broadcast %eq3A_978 : i32 to vector<512x128xi32>
    %eq3A_980 = arith.cmpi eq, %add3A_977, %eq3A_979 : vector<512x128xi32>
    %eq3A_981 = arith.constant 2 : i32
    %eq3A_982 = vector.broadcast %eq3A_981 : i32 to vector<512x128xi32>
    %eq3A_983 = arith.cmpi eq, %add3A_977, %eq3A_982 : vector<512x128xi32>
    %eq3A_984 = arith.constant 3 : i32
    %eq3A_985 = vector.broadcast %eq3A_984 : i32 to vector<512x128xi32>
    %eq3A_986 = arith.cmpi eq, %add3A_977, %eq3A_985 : vector<512x128xi32>
    %jit3A_987 = arith.constant 0x7F800000 : f32
    %broadcast_in_dim3A_988 = vector.broadcast %jit3A_987 : f32 to vector<512x128xf32>
    %select_n3A_989 = arith.select %eq3A_986, %select_n3A_704, %broadcast_in_dim3A_988 : vector<512x128xi1>, vector<512x128xf32>
    %select_n3A_990 = arith.select %eq3A_983, %select_n3A_701, %select_n3A_989 : vector<512x128xi1>, vector<512x128xf32>
    %select_n3A_991 = arith.select %eq3A_980, %select_n3A_696, %select_n3A_990 : vector<512x128xi1>, vector<512x128xf32>
    %select_n3A_992 = arith.select %eq3A_947, %select_n3A_991, %select_n3A_934 : vector<512x128xi1>, vector<512x128xf32>
    %reduce_min3A_993 = arith.constant dense<0x7F800000> : vector<512xf32>
    %reduce_min3A_994 = vector.multi_reduction <minimumf>, %select_n3A_992, %reduce_min3A_993 [1] : vector<512x128xf32> to vector<512xf32>
    %broadcast_in_dim3A_995 = vector.shape_cast %reduce_min3A_994 : vector<512xf32> to vector<512x1xf32>
    %eq3A_996 = vector.broadcast %broadcast_in_dim3A_995 : vector<512x1xf32> to vector<512x128xf32>
    %eq3A_997 = arith.cmpf oeq, %select_n3A_992, %eq3A_996 : vector<512x128xf32>
    %jit3A_998 = arith.constant 128 : i32
    %broadcast_in_dim3A_999 = vector.broadcast %jit3A_998 : i32 to vector<512x128xi32>
    %select_n3A_1000 = arith.select %eq3A_997, %iota3A, %broadcast_in_dim3A_999 : vector<512x128xi1>, vector<512x128xi32>
    %reduce_min3A_1001 = arith.constant dense<2147483647> : vector<512xi32>
    %reduce_min3A_1002 = vector.multi_reduction <minsi>, %select_n3A_1000, %reduce_min3A_1001 [1] : vector<512x128xi32> to vector<512xi32>
    %broadcast_in_dim3A_1003 = vector.shape_cast %reduce_min3A_1002 : vector<512xi32> to vector<512x1xi32>
    %eq3A_1004 = vector.broadcast %broadcast_in_dim3A_1003 : vector<512x1xi32> to vector<512x128xi32>
    %eq3A_1005 = arith.cmpi eq, %iota3A, %eq3A_1004 : vector<512x128xi32>
    %eq3A_1006 = arith.constant 0 : i32
    %eq3A_1007 = vector.broadcast %eq3A_1006 : i32 to vector<512x128xi32>
    %eq3A_1008 = arith.cmpi eq, %add3A_977, %eq3A_1007 : vector<512x128xi32>
    %eq3A_1009 = arith.constant 1 : i32
    %eq3A_1010 = vector.broadcast %eq3A_1009 : i32 to vector<512x128xi32>
    %eq3A_1011 = arith.cmpi eq, %add3A_977, %eq3A_1010 : vector<512x128xi32>
    %eq3A_1012 = arith.constant 2 : i32
    %eq3A_1013 = vector.broadcast %eq3A_1012 : i32 to vector<512x128xi32>
    %eq3A_1014 = arith.cmpi eq, %add3A_977, %eq3A_1013 : vector<512x128xi32>
    %select_n3A_1015 = arith.select %eq3A_1014, %select_n3A_702, %select_n3A_705 : vector<512x128xi1>, vector<512x128xi32>
    %select_n3A_1016 = arith.select %eq3A_1011, %select_n3A_697, %select_n3A_1015 : vector<512x128xi1>, vector<512x128xi32>
    %select_n3A_1017 = arith.select %eq3A_1008, %select_n3A_692, %select_n3A_1016 : vector<512x128xi1>, vector<512x128xi32>
    %jit3A_1018 = arith.constant 268435456 : i32
    %broadcast_in_dim3A_1019 = vector.broadcast %jit3A_1018 : i32 to vector<512x128xi32>
    %select_n3A_1020 = arith.select %eq3A_1005, %select_n3A_1017, %broadcast_in_dim3A_1019 : vector<512x128xi1>, vector<512x128xi32>
    %reduce_min3A_1021 = arith.constant dense<2147483647> : vector<512xi32>
    %reduce_min3A_1022 = vector.multi_reduction <minsi>, %select_n3A_1020, %reduce_min3A_1021 [1] : vector<512x128xi32> to vector<512xi32>
    %broadcast_in_dim3A_1023 = vector.shape_cast %reduce_min3A_1022 : vector<512xi32> to vector<512x1xi32>
    %mul3A_1024 = arith.constant 128 : i32
    %mul3A_1025 = vector.broadcast %mul3A_1024 : i32 to vector<512x1xi32>
    %mul3A_1026 = arith.muli %broadcast_in_dim3A_1023, %mul3A_1025 : vector<512x1xi32>
    %add3A_1027 = arith.addi %mul3A_1026, %broadcast_in_dim3A_1003 : vector<512x1xi32>
    %swap3A_1028 = arith.constant 0 : index
    %swap3A_1029 = arith.constant 0 : index
    %swap3A_1030 = arith.constant 5 : index
    %swap3A_1031 = vector.load %arg5[%swap3A_1028, %swap3A_1029, %swap3A_1030] : memref<1x512x8xi32, #tpu.memory_space<vmem>>, vector<1x512x1xi32>
    %swap3A_1032 = vector.shape_cast %swap3A_1031 : vector<1x512x1xi32> to vector<512x1xi32>
    %swap3A_1033 = vector.shape_cast %add3A_1027 : vector<512x1xi32> to vector<1x512x1xi32>
    tpu.vector_store %arg5[%swap3A_1028, %swap3A_1029, %swap3A_1030], %swap3A_1033 {strides = array<i32>} : memref<1x512x8xi32, #tpu.memory_space<vmem>>, vector<1x512x1xi32>,
    %convert_element_type3A_1034 = arith.extui %eq3A_1005 : vector<512x128xi1> to vector<512x128xi32>
    %add3A_1035 = arith.addi %add3A_977, %convert_element_type3A_1034 : vector<512x128xi32>
    %eq3A_1036 = arith.constant 1 : i32
    %eq3A_1037 = vector.broadcast %eq3A_1036 : i32 to vector<512x128xi32>
    %eq3A_1038 = arith.cmpi eq, %add3A_1035, %eq3A_1037 : vector<512x128xi32>
    %eq3A_1039 = arith.constant 2 : i32
    %eq3A_1040 = vector.broadcast %eq3A_1039 : i32 to vector<512x128xi32>
    %eq3A_1041 = arith.cmpi eq, %add3A_1035, %eq3A_1040 : vector<512x128xi32>
    %eq3A_1042 = arith.constant 3 : i32
    %eq3A_1043 = vector.broadcast %eq3A_1042 : i32 to vector<512x128xi32>
    %eq3A_1044 = arith.cmpi eq, %add3A_1035, %eq3A_1043 : vector<512x128xi32>
    %jit3A_1045 = arith.constant 0x7F800000 : f32
    %broadcast_in_dim3A_1046 = vector.broadcast %jit3A_1045 : f32 to vector<512x128xf32>
    %select_n3A_1047 = arith.select %eq3A_1044, %select_n3A_704, %broadcast_in_dim3A_1046 : vector<512x128xi1>, vector<512x128xf32>
    %select_n3A_1048 = arith.select %eq3A_1041, %select_n3A_701, %select_n3A_1047 : vector<512x128xi1>, vector<512x128xf32>
    %select_n3A_1049 = arith.select %eq3A_1038, %select_n3A_696, %select_n3A_1048 : vector<512x128xi1>, vector<512x128xf32>
    %select_n3A_1050 = arith.select %eq3A_1005, %select_n3A_1049, %select_n3A_992 : vector<512x128xi1>, vector<512x128xf32>
    %reduce_min3A_1051 = arith.constant dense<0x7F800000> : vector<512xf32>
    %reduce_min3A_1052 = vector.multi_reduction <minimumf>, %select_n3A_1050, %reduce_min3A_1051 [1] : vector<512x128xf32> to vector<512xf32>
    %broadcast_in_dim3A_1053 = vector.shape_cast %reduce_min3A_1052 : vector<512xf32> to vector<512x1xf32>
    %eq3A_1054 = vector.broadcast %broadcast_in_dim3A_1053 : vector<512x1xf32> to vector<512x128xf32>
    %eq3A_1055 = arith.cmpf oeq, %select_n3A_1050, %eq3A_1054 : vector<512x128xf32>
    %jit3A_1056 = arith.constant 128 : i32
    %broadcast_in_dim3A_1057 = vector.broadcast %jit3A_1056 : i32 to vector<512x128xi32>
    %select_n3A_1058 = arith.select %eq3A_1055, %iota3A, %broadcast_in_dim3A_1057 : vector<512x128xi1>, vector<512x128xi32>
    %reduce_min3A_1059 = arith.constant dense<2147483647> : vector<512xi32>
    %reduce_min3A_1060 = vector.multi_reduction <minsi>, %select_n3A_1058, %reduce_min3A_1059 [1] : vector<512x128xi32> to vector<512xi32>
    %broadcast_in_dim3A_1061 = vector.shape_cast %reduce_min3A_1060 : vector<512xi32> to vector<512x1xi32>
    %eq3A_1062 = vector.broadcast %broadcast_in_dim3A_1061 : vector<512x1xi32> to vector<512x128xi32>
    %eq3A_1063 = arith.cmpi eq, %iota3A, %eq3A_1062 : vector<512x128xi32>
    %eq3A_1064 = arith.constant 0 : i32
    %eq3A_1065 = vector.broadcast %eq3A_1064 : i32 to vector<512x128xi32>
    %eq3A_1066 = arith.cmpi eq, %add3A_1035, %eq3A_1065 : vector<512x128xi32>
    %eq3A_1067 = arith.constant 1 : i32
    %eq3A_1068 = vector.broadcast %eq3A_1067 : i32 to vector<512x128xi32>
    %eq3A_1069 = arith.cmpi eq, %add3A_1035, %eq3A_1068 : vector<512x128xi32>
    %eq3A_1070 = arith.constant 2 : i32
    %eq3A_1071 = vector.broadcast %eq3A_1070 : i32 to vector<512x128xi32>
    %eq3A_1072 = arith.cmpi eq, %add3A_1035, %eq3A_1071 : vector<512x128xi32>
    %select_n3A_1073 = arith.select %eq3A_1072, %select_n3A_702, %select_n3A_705 : vector<512x128xi1>, vector<512x128xi32>
    %select_n3A_1074 = arith.select %eq3A_1069, %select_n3A_697, %select_n3A_1073 : vector<512x128xi1>, vector<512x128xi32>
    %select_n3A_1075 = arith.select %eq3A_1066, %select_n3A_692, %select_n3A_1074 : vector<512x128xi1>, vector<512x128xi32>
    %jit3A_1076 = arith.constant 268435456 : i32
    %broadcast_in_dim3A_1077 = vector.broadcast %jit3A_1076 : i32 to vector<512x128xi32>
    %select_n3A_1078 = arith.select %eq3A_1063, %select_n3A_1075, %broadcast_in_dim3A_1077 : vector<512x128xi1>, vector<512x128xi32>
    %reduce_min3A_1079 = arith.constant dense<2147483647> : vector<512xi32>
    %reduce_min3A_1080 = vector.multi_reduction <minsi>, %select_n3A_1078, %reduce_min3A_1079 [1] : vector<512x128xi32> to vector<512xi32>
    %broadcast_in_dim3A_1081 = vector.shape_cast %reduce_min3A_1080 : vector<512xi32> to vector<512x1xi32>
    %mul3A_1082 = arith.constant 128 : i32
    %mul3A_1083 = vector.broadcast %mul3A_1082 : i32 to vector<512x1xi32>
    %mul3A_1084 = arith.muli %broadcast_in_dim3A_1081, %mul3A_1083 : vector<512x1xi32>
    %add3A_1085 = arith.addi %mul3A_1084, %broadcast_in_dim3A_1061 : vector<512x1xi32>
    %swap3A_1086 = arith.constant 0 : index
    %swap3A_1087 = arith.constant 0 : index
    %swap3A_1088 = arith.constant 6 : index
    %swap3A_1089 = vector.load %arg5[%swap3A_1086, %swap3A_1087, %swap3A_1088] : memref<1x512x8xi32, #tpu.memory_space<vmem>>, vector<1x512x1xi32>
    %swap3A_1090 = vector.shape_cast %swap3A_1089 : vector<1x512x1xi32> to vector<512x1xi32>
    %swap3A_1091 = vector.shape_cast %add3A_1085 : vector<512x1xi32> to vector<1x512x1xi32>
    tpu.vector_store %arg5[%swap3A_1086, %swap3A_1087, %swap3A_1088], %swap3A_1091 {strides = array<i32>} : memref<1x512x8xi32, #tpu.memory_space<vmem>>, vector<1x512x1xi32>,
    %convert_element_type3A_1092 = arith.extui %eq3A_1063 : vector<512x128xi1> to vector<512x128xi32>
    %add3A_1093 = arith.addi %add3A_1035, %convert_element_type3A_1092 : vector<512x128xi32>
    %eq3A_1094 = arith.constant 1 : i32
    %eq3A_1095 = vector.broadcast %eq3A_1094 : i32 to vector<512x128xi32>
    %eq3A_1096 = arith.cmpi eq, %add3A_1093, %eq3A_1095 : vector<512x128xi32>
    %eq3A_1097 = arith.constant 2 : i32
    %eq3A_1098 = vector.broadcast %eq3A_1097 : i32 to vector<512x128xi32>
    %eq3A_1099 = arith.cmpi eq, %add3A_1093, %eq3A_1098 : vector<512x128xi32>
    %eq3A_1100 = arith.constant 3 : i32
    %eq3A_1101 = vector.broadcast %eq3A_1100 : i32 to vector<512x128xi32>
    %eq3A_1102 = arith.cmpi eq, %add3A_1093, %eq3A_1101 : vector<512x128xi32>
    %jit3A_1103 = arith.constant 0x7F800000 : f32
    %broadcast_in_dim3A_1104 = vector.broadcast %jit3A_1103 : f32 to vector<512x128xf32>
    %select_n3A_1105 = arith.select %eq3A_1102, %select_n3A_704, %broadcast_in_dim3A_1104 : vector<512x128xi1>, vector<512x128xf32>
    %select_n3A_1106 = arith.select %eq3A_1099, %select_n3A_701, %select_n3A_1105 : vector<512x128xi1>, vector<512x128xf32>
    %select_n3A_1107 = arith.select %eq3A_1096, %select_n3A_696, %select_n3A_1106 : vector<512x128xi1>, vector<512x128xf32>
    %select_n3A_1108 = arith.select %eq3A_1063, %select_n3A_1107, %select_n3A_1050 : vector<512x128xi1>, vector<512x128xf32>
    %reduce_min3A_1109 = arith.constant dense<0x7F800000> : vector<512xf32>
    %reduce_min3A_1110 = vector.multi_reduction <minimumf>, %select_n3A_1108, %reduce_min3A_1109 [1] : vector<512x128xf32> to vector<512xf32>
    %broadcast_in_dim3A_1111 = vector.shape_cast %reduce_min3A_1110 : vector<512xf32> to vector<512x1xf32>
    %eq3A_1112 = vector.broadcast %broadcast_in_dim3A_1111 : vector<512x1xf32> to vector<512x128xf32>
    %eq3A_1113 = arith.cmpf oeq, %select_n3A_1108, %eq3A_1112 : vector<512x128xf32>
    %jit3A_1114 = arith.constant 128 : i32
    %broadcast_in_dim3A_1115 = vector.broadcast %jit3A_1114 : i32 to vector<512x128xi32>
    %select_n3A_1116 = arith.select %eq3A_1113, %iota3A, %broadcast_in_dim3A_1115 : vector<512x128xi1>, vector<512x128xi32>
    %reduce_min3A_1117 = arith.constant dense<2147483647> : vector<512xi32>
    %reduce_min3A_1118 = vector.multi_reduction <minsi>, %select_n3A_1116, %reduce_min3A_1117 [1] : vector<512x128xi32> to vector<512xi32>
    %broadcast_in_dim3A_1119 = vector.shape_cast %reduce_min3A_1118 : vector<512xi32> to vector<512x1xi32>
    %eq3A_1120 = vector.broadcast %broadcast_in_dim3A_1119 : vector<512x1xi32> to vector<512x128xi32>
    %eq3A_1121 = arith.cmpi eq, %iota3A, %eq3A_1120 : vector<512x128xi32>
    %eq3A_1122 = arith.constant 0 : i32
    %eq3A_1123 = vector.broadcast %eq3A_1122 : i32 to vector<512x128xi32>
    %eq3A_1124 = arith.cmpi eq, %add3A_1093, %eq3A_1123 : vector<512x128xi32>
    %eq3A_1125 = arith.constant 1 : i32
    %eq3A_1126 = vector.broadcast %eq3A_1125 : i32 to vector<512x128xi32>
    %eq3A_1127 = arith.cmpi eq, %add3A_1093, %eq3A_1126 : vector<512x128xi32>
    %eq3A_1128 = arith.constant 2 : i32
    %eq3A_1129 = vector.broadcast %eq3A_1128 : i32 to vector<512x128xi32>
    %eq3A_1130 = arith.cmpi eq, %add3A_1093, %eq3A_1129 : vector<512x128xi32>
    %select_n3A_1131 = arith.select %eq3A_1130, %select_n3A_702, %select_n3A_705 : vector<512x128xi1>, vector<512x128xi32>
    %select_n3A_1132 = arith.select %eq3A_1127, %select_n3A_697, %select_n3A_1131 : vector<512x128xi1>, vector<512x128xi32>
    %select_n3A_1133 = arith.select %eq3A_1124, %select_n3A_692, %select_n3A_1132 : vector<512x128xi1>, vector<512x128xi32>
    %jit3A_1134 = arith.constant 268435456 : i32
    %broadcast_in_dim3A_1135 = vector.broadcast %jit3A_1134 : i32 to vector<512x128xi32>
    %select_n3A_1136 = arith.select %eq3A_1121, %select_n3A_1133, %broadcast_in_dim3A_1135 : vector<512x128xi1>, vector<512x128xi32>
    %reduce_min3A_1137 = arith.constant dense<2147483647> : vector<512xi32>
    %reduce_min3A_1138 = vector.multi_reduction <minsi>, %select_n3A_1136, %reduce_min3A_1137 [1] : vector<512x128xi32> to vector<512xi32>
    %broadcast_in_dim3A_1139 = vector.shape_cast %reduce_min3A_1138 : vector<512xi32> to vector<512x1xi32>
    %mul3A_1140 = arith.constant 128 : i32
    %mul3A_1141 = vector.broadcast %mul3A_1140 : i32 to vector<512x1xi32>
    %mul3A_1142 = arith.muli %broadcast_in_dim3A_1139, %mul3A_1141 : vector<512x1xi32>
    %add3A_1143 = arith.addi %mul3A_1142, %broadcast_in_dim3A_1119 : vector<512x1xi32>
    %swap3A_1144 = arith.constant 0 : index
    %swap3A_1145 = arith.constant 0 : index
    %swap3A_1146 = arith.constant 7 : index
    %swap3A_1147 = vector.load %arg5[%swap3A_1144, %swap3A_1145, %swap3A_1146] : memref<1x512x8xi32, #tpu.memory_space<vmem>>, vector<1x512x1xi32>
    %swap3A_1148 = vector.shape_cast %swap3A_1147 : vector<1x512x1xi32> to vector<512x1xi32>
    %swap3A_1149 = vector.shape_cast %add3A_1143 : vector<512x1xi32> to vector<1x512x1xi32>
    tpu.vector_store %arg5[%swap3A_1144, %swap3A_1145, %swap3A_1146], %swap3A_1149 {strides = array<i32>} : memref<1x512x8xi32, #tpu.memory_space<vmem>>, vector<1x512x1xi32>,
    return
  }
  func.func @transform_0(%arg0: i32, %arg1: i32) -> (i32, i32, i32) {
    %c0_i32 = arith.constant 0 : i32
    %c0_i32_0 = arith.constant 0 : i32
    %c0_i32_1 = arith.constant 0 : i32
    return %arg0, %c0_i32, %c0_i32_0 : i32, i32, i32
  }
  func.func @transform_1(%arg0: i32, %arg1: i32) -> (i32, i32, i32) {
    %c0_i32 = arith.constant 0 : i32
    %c0_i32_0 = arith.constant 0 : i32
    %c0_i32_1 = arith.constant 0 : i32
    return %arg0, %c0_i32, %c0_i32_0 : i32, i32, i32
  }
  func.func @transform_2(%arg0: i32, %arg1: i32) -> (i32, i32, i32) {
    %c0_i32 = arith.constant 0 : i32
    %c0_i32_0 = arith.constant 0 : i32
    return %arg0, %arg1, %c0_i32 : i32, i32, i32
  }
  func.func @transform_3(%arg0: i32, %arg1: i32) -> (i32, i32, i32) {
    %c0_i32 = arith.constant 0 : i32
    %c0_i32_0 = arith.constant 0 : i32
    return %arg0, %arg1, %c0_i32 : i32, i32, i32
  }
}

</mosaic_0001>

<sc_bundles>
// kernel: kernel.4.cloned.1.call-start
scs
__scs_entry_jumppad:
0x0: {  	(pc) =	sbr.rel $0x88, $3  }
0x1: {  	(tag) =	ssettag $0x0;
	lr =	simm.s32 $0x1  }
0x2: {  	[smem:$0x3F9E] =	sst lr;
	_ =	strace $0xD0000000  }
0x3: {  	_ = 	snop  }
0x4: {  	_ = 	snop  }
0x5: {  	_ = 	snop  }
0x6: {  	_ = 	snop  }
0x7: {  	_ = 	snop  }
__scs_overlays_trampoline_lowered:
0x8: {  	[smem:$0x3FAD] =	sst s0  }
0x9: {  	[smem:$0x3FAE] =	sst s1  }
0xa: {  	[smem:$0x3FAF] =	sst s2  }
0xb: {  	[smem:$0x3FB0] =	sst s3  }
0xc: {  	[smem:$0x3FB1] =	sst s4  }
0xd: {  	[smem:$0x3FB2] =	sst s5  }
0xe: {  	[smem:$0x3FB3] =	sst s6  }
0xf: {  	[smem:$0x3FB4] =	sst s7  }
0x10: {  	[smem:$0x3FB5] =	sst s8  }
0x11: {  	[smem:$0x3FB6] =	sst s9;
	s0 =	simm.s32 @!p0 $0x0  }
0x12: {  	s1 =	sld [smem:$0x3F9C];
	s0 =	simm.s32 @p0 $0x1  }
0x13: {  	[smem:$0x3FB7] =	sst s0;
	s0 =	simm.s32 @!p1 $0x0  }
0x14: {  	s2 =	sld [smem:$0x3F9B];
	s0 =	simm.s32 @p1 $0x1  }
0x15: {  	[smem:$0x3FB8] =	sst s0;
	s0 =	simm.s32 @!p2 $0x0  }
0x16: {  	s3 =	sld [smem:$0x3FDB];
	s0 =	simm.s32 @p2 $0x1  }
0x17: {  	s4 =	simm.s32 $0x1BF5;
	[smem:$0x3FBA] =	sst s0  }
0x18: {  	s0 =	sld [smem:$0x3F9D];
	_ =	swait.ge [sflag:s4], $0x0  }
0x19: {  	s7 =	sld [smem:$0x3F9E]  }
0x1a: {  	s8 =	sadd.s32 $0xFFFFE003, lr  }
0x1b: {  	s9 =	sadd.s32 $0xFFFFFEF7, lr;
	s5 =	simm.s32 $0xFFFFFFFF;
	p2 =	slt.u32 s8, $0xFFFFF086  }
0x1c: {  	p1 =	slt.u32 s9, $0xF7A;
	s5 =	simm.s32 @!p2 $0x0  }
0x1d: {  	s5 =	simm.s32 @p1 $0x1;
	p0 =	seq.s32 s7, s2  }
0x1e: {  	s7 =	smul.u32 @!p0 $0xF7A, s2;
	p2 =	seq.s32 @!p0 s5, $0x0  }
0x1f: {  	s9 =	smul.u32 $0xF7A, s1;
	s8 =	simm.s32 @!p0 $0x1BF5;
	p2 =	por !p2, p0  }
0x20: {  	[sflag:s8] =	ssyncset.s32 @!p0 $0xFFFFF086;
	s6 =	sadd.s32 @!p0 s3, s7;
	s7 =	simm.s32 @!p0 $0x108  }
0x21: {  	s3 =	sadd.s32 s3, s9;
	s6 =	sadd.s32 @!p0 $0x88, s6;
	s7 =	simm.s32 @p2 $0x1082  }
0x22: {  	[simem:s7], [sflag:s8] =	dma.local @!p0 [hbm:s6], $0xF7A  }
0x23: {  	s9 =	sor.u32 $0xD0000000, s2;
	s6 =	simm.s32 $0x108;
	_ =	swait.ge @!p0 [sflag:s8], $0x0  }
0x24: {  	s3 =	sadd.s32 $0x88, s3;
	s6 =	simm.s32 @!p1 $0x1082;
	[sflag:s4] =	ssyncset.s32 $0xFFFFF086  }
0x25: {  	[simem:s6], [sflag:s4] =	dma.local [hbm:s3], $0xF7A  }
0x26: {  	[smem:$0x3F9E] =	sst s1;
	(tag) =	ssettag s2;
	_ =	strace s9  }
0x27: {  	s1 =	sld [smem:$0x3FAE]  }
0x28: {  	s2 =	sld [smem:$0x3FAF]  }
0x29: {  	s4 =	sld [smem:$0x3FB1]  }
0x2a: {  	p0 =	seq.s32 s5, $0x0;
	s5 =	sld [smem:$0x3FB2]  }
0x2b: {  	s6 =	sld [smem:$0x3FB3]  }
0x2c: {  	s7 =	sld [smem:$0x3FB4]  }
0x2d: {  	s3 =	simm.s32 $0x108;
	s8 =	sld [smem:$0x3FB5]  }
0x2e: {  	s3 =	simm.s32 @!p0 $0x1082;
	s9 =	sld [smem:$0x3FB6]  }
0x2f: {  	lr =	sadd.s32 s0, s3;
	s0 =	sld [smem:$0x3FAD]  }
0x30: {  	s3 =	sld [smem:$0x3FB0]  }
0x31: {  	[smem:$0x3FB9] =	sst s10  }
0x32: {  	s10 =	sld [smem:$0x3FB7];
	_ =	sdelay $0x3  }
0x33: {  	p0 =	seq.s32 s10, $0x1;
	s10 =	sld [smem:$0x3FB9];
	_ =	sdelay $0x3  }
0x34: {  	[smem:$0x3FB9] =	sst s10  }
0x35: {  	s10 =	sld [smem:$0x3FB8];
	_ =	sdelay $0x3  }
0x36: {  	p1 =	seq.s32 s10, $0x1;
	s10 =	sld [smem:$0x3FB9];
	_ =	sdelay $0x3  }
0x37: {  	[smem:$0x3FB9] =	sst s10  }
0x38: {  	s10 =	sld [smem:$0x3FBA]  }
0x39: {  	_ = 	snop;
	(pc) =	sbr.ind lr, $3  }
0x3a: {  	_ = 	snop  }
0x3b: {  	_ = 	snop  }
0x3c: {  	p2 =	seq.s32 s10, $0x1;
	s10 =	sld [smem:$0x3FB9]  }
0x3d: {  	_ =	shalt  }
0x3e: {  	_ =	shalt  }
0x3f: {  	_ =	shalt  }
0x40: {  	_ =	shalt  }
0x41: {  	_ =	shalt  }
0x42: {  	_ =	shalt  }
0x43: {  	_ =	shalt  }
0x44: {  	_ =	shalt  }
0x45: {  	_ =	shalt  }
0x46: {  	_ =	shalt  }
0x47: {  	_ =	shalt  }
0x48: {  	_ =	shalt  }
0x49: {  	_ =	shalt  }
0x4a: {  	_ =	shalt  }
0x4b: {  	_ =	shalt  }
0x4c: {  	_ =	shalt  }
0x4d: {  	_ =	shalt  }
0x4e: {  	_ =	shalt  }
0x4f: {  	_ =	shalt  }
0x50: {  	_ =	shalt  }
0x51: {  	_ =	shalt  }
0x52: {  	_ =	shalt  }
0x53: {  	_ =	shalt  }
0x54: {  	_ =	shalt  }
0x55: {  	_ =	shalt  }
0x56: {  	_ =	shalt  }
0x57: {  	_ =	shalt  }
0x58: {  	_ =	shalt  }
0x59: {  	_ =	shalt  }
0x5a: {  	_ =	shalt  }
0x5b: {  	_ =	shalt  }
0x5c: {  	_ =	shalt  }
0x5d: {  	_ =	shalt  }
0x5e: {  	_ =	shalt  }
0x5f: {  	_ =	shalt  }
0x60: {  	_ =	shalt  }
0x61: {  	_ =	shalt  }
0x62: {  	_ =	shalt  }
0x63: {  	_ =	shalt  }
0x64: {  	_ =	shalt  }
0x65: {  	_ =	shalt  }
0x66: {  	_ =	shalt  }
0x67: {  	_ =	shalt  }
0x68: {  	_ =	shalt  }
0x69: {  	_ =	shalt  }
0x6a: {  	_ =	shalt  }
0x6b: {  	_ =	shalt  }
0x6c: {  	_ =	shalt  }
0x6d: {  	_ =	shalt  }
0x6e: {  	_ =	shalt  }
0x6f: {  	_ =	shalt  }
0x70: {  	_ =	shalt  }
0x71: {  	_ =	shalt  }
0x72: {  	_ =	shalt  }
0x73: {  	_ =	shalt  }
0x74: {  	_ =	shalt  }
0x75: {  	_ =	shalt  }
0x76: {  	_ =	shalt  }
0x77: {  	_ =	shalt  }
0x78: {  	_ =	shalt  }
0x79: {  	_ =	shalt  }
0x7a: {  	_ =	shalt  }
0x7b: {  	_ =	shalt  }
0x7c: {  	_ =	shalt  }
0x7d: {  	_ =	shalt  }
0x7e: {  	_ =	shalt  }
0x7f: {  	_ =	shalt  }
0x80: {  	_ =	shalt  }
0x81: {  	_ =	shalt  }
0x82: {  	_ =	shalt  }
0x83: {  	_ =	shalt  }
0x84: {  	_ =	shalt  }
0x85: {  	_ =	shalt  }
0x86: {  	_ =	shalt  }
0x87: {  	_ =	shalt  }
.Lfunc_end0:
.L_simem_size_0:
called_computation_lowered:
.L_overlay_start_0:
0x88: {  	s2 =	sld [smem:$0x3FD9]  }
0x89: {  	s3 =	sld [smem:$0x3FFE];
	_ =	sdelay $0x1  }
0x8a: {  	s1 =	srdreg.scid  }
0x8b: {  	s0 =	sand.u32 $0x1, s1  }
0x8c: {  	s17 =	sshll.u32 s0, $0xA;
	s2 =	sadd.s32 s3, s2  }
0x8d: {  	s2 =	sadd.s32 s2, s17  }
0x8e: {  	[smem:$0x3FC5] =	sst s2  }
0x8f: {  	_ = 	snop  }
0x90: {  	s2 =	sld [smem:$0x3FD0];
	(tm) =	ssettm $0x1  }
0x91: {  	s18 =	sld [smem:$0x3FFB];
	_ =	sdelay $0x3  }
0x92: {  	_ =	strace s18  }
0x93: {  	s3 =	sld [smem:$0x3FFC];
	_ =	sdelay $0x3  }
0x94: {  	_ =	strace s3  }
0x95: {  	s3 =	sld [smem:$0x3FFD];
	_ =	sdelay $0x3  }
0x96: {  	_ =	strace s3  }
0x97: {  	_ =	strace $0x8FFFFFFF  }
0x98: {  	s19 =	sld [smem:$0x3FDB];
	_ =	sdelay $0x1  }
0x99: {  	s4 =	simm.s32 $_scs_section_size  }
0x9a: {  	s5 =	simm.s32 $_size__tile_overlayer_lowered;
	s6 =	simm.s32 $_tile_overlayer_lowered  }
0x9b: {  	s22 =	simm.s32 $0x1BFF;
	s21 =	sshll.u32 s6, $0x1;
	s3 =	sadd.s32 s4, s19  }
0x9c: {  	s7 =	simm.s32 $0x0;
	s20 =	sshll.u32 s5, $0x1;
	s5 =	sadd.s32 s21, s3  }
0x9d: {  	[timem:s7], [sflag:s22] =	dma.local [hbm:s5], s20  }
0x9e: {  	_ =	swait.ge [sflag:s22], s20  }
0x9f: {  	s4 =	ssub.s32 $0x0, s20;
	[sflag:s22] =	ssyncset.done $0x0  }
0xa0: {  	[sflag:s22] =	ssyncadd.s32 s4;
	_ =	sdelay $0x1  }
0xa1: {  	s23 =	simm.s32 $0x1B8B  }
0xa2: {  	_ =	swait.ge [sflag:s23], $0x1  }
0xa3: {  	[sflag:s23] =	ssyncset.done $0x0  }
0xa4: {  	s25 =	simm.s32 $0x1B8E;
	s24 =	sld [smem:$0x3FFE];
	[sflag:s23] =	ssyncadd.s32 $0xFFFFFFFF  }
0xa5: {  	s26 =	simm.s32 $execute0_lowered;
	[smem:$0x3FD2] =	sst s25  }
0xa6: {  	s5 =	sshll.u32 s26, $0x1;
	_ =	strace $0x80000046;
	[dreg:$0x1] =	wrdreg $0xFFFFFFFF  }
0xa7: {  	s28 =	simm.s32 $_size_execute0_lowered;
	s3 =	sadd.s32 s3, s5;
	[dreg:$0x0] =	wrdreg $0x0  }
0xa8: {  	s5 =	sshll.u32 s28, $0x1;
	[dreg:$0x2] =	wrdreg s3  }
0xa9: {  	[dreg:$0x3] =	wrdreg s5  }
0xaa: {  	[dreg:$0x4] =	wrdreg $0xC0  }
0xab: {  	_ =	task [dreg:s7], $0x5FFFF  }
0xac: {  	[dreg:$0x1] =	wrdreg $0xFFFFFFFF  }
0xad: {  	[dreg:$0x0] =	wrdreg $0x60  }
0xae: {  	[dreg:$0x2] =	wrdreg s2  }
0xaf: {  	[dreg:$0x3] =	wrdreg s24  }
0xb0: {  	[dreg:$0x4] =	wrdreg $0x9  }
0xb1: {  	_ =	task.clear_ibuf [dreg:s7], $0x5FFFF;
	_ =	strace $0x90000046  }
0xb2: {  	s29 =	simm.s32 $0x9;
	_ =	strace $0x80000048  }
0xb3: {  	_ =	swait.ge [sflag:s29], $0x1  }
0xb4: {  	[sflag:s29] =	ssyncadd.s32 $0xFFFFFFFF  }
0xb5: {  	_ =	strace $0x90000048  }
0xb6: {  	_ =	sfence  }
0xb7: {  	s30 =	sld [smem:$0x0];
	_ =	sdelay $0x2  }
0xb8: {  	s31 =	sshll.u32 s1, $0xD;
	s1 =	sshrl.u32 s1, $0x2  }
0xb9: {  	s3 =	sand.u32 $0x4000, s31;
	s1 =	sadd.s32 s1, s30  }
0xba: {  	s0 =	sor.u32 s3, s0;
	s1 =	sshll.u32 s1, $0x11  }
0xbb: {  	s0 =	sor.u32 s1, s0  }
0xbc: {  	s0 =	sadd.s32 $0x8F2B, s0  }
0xbd: {  	[sflag:s0] =	ssyncadd.remote.s32 $0x1  }
0xbe: {  	_ =	sfence.sel $0xFFFF  }
0xbf: {  	[dreg:$0x0] =	wrdreg $0xFFFFFFFF;
	(pc) =	sbr.abs _section_cstart, $3  }
0xc0: {  	[dreg:$0x1] =	wrdreg $0xFFFFFFFF  }
0xc1: {  	_ =	task.clear_ibuf [dreg:s7], $0x2FFFF;
	_ =	strace $0x9FFFFFFF  }
0xc2: {  	(tm) =	ssettm $0x7FFFFFFF  }
0xc3: {  	_ =	shalt  }
tec
execute0_lowered:
.L_overlay_start_1:
0x0: {  	(tag) =	ssettag $0x1  }
0x1: {  	s4 =	rddreg [dreg:$0x0]  }
0x2: {  	s1 =	rddreg [dreg:$0x1]  }
0x3: {  	s0 =	rddreg [dreg:$0x2];
	s3 =	simm.s32 $0x0;
	s5 =	srdreg.scid  }
0x4: {  	s2 =	stileid.u32;
	s10 =	simm.s32 $0x11000;
	s11 =	simm.s32 $0x1  }
0x5: {  	[smem:$0x7FF] =	sst s3;
	s6 =	sand.u32 $0x1, s5;
	s7 =	sshll.u32 s2, $0xA  }
0x6: {  	s31 =	sshll.u32 s2, $0x13;
	s5 =	ssub.s32 $0x2, s6;
	s8 =	sshll.u32 s6, $0x9  }
0x7: {  	_ =	strace $0x80000047;
	s6 =	sshll.u32 s6, $0x12;
	s9 =	sshrl.u32 s5, $0x1  }
0x8: {  	s7 =	sor.u32 s8, s7;
	s8 =	simm.s32 $0x2;
	s5 =	ssub.s32 s5, s9  }
0x9: {  	s4 =	sadd.s32 s4, s7;
	s7 =	sadd.s32 s31, s1;
	s9 =	simm.s32 $0x80  }
0xa: {  	v0 =	vimm.f32 $0.0e+00;
	v1 =	vimm.f32 $1.428571410e+01;
	s5 =	smax.u32 s5, $0x1;
	s6 =	sadd.s32 s6, s7;
	s7 =	simm.s32 $0x10000  }
.LBB2_1:
0xb: {  	s12 =	simm.s32 $0x40;
	s13 =	simm.s32 $0x0  }
.LBB2_2:
0xc: {  	p0 =	sne.s32 s12, $0x3FFC0;
	[tilespmem:s13+$0x0] =	vst v0;
	s13 =	smov.u32 s12;
	s12 =	sadd.s32 $0x40, s12  }
.Ltmp0:
0xd: {  	(pc) =	sbr.rel @p0 .LBB2_2-.Ltmp0, $2  }
0xe: {  	_ =	sdelay $0x2  }
0xf: {  	s13 =	sshra.s32 s13, $0x2  }
0x10: {  	[tilespmem:s13+$0x0] =	vst v0  }
0x11: {  	[tilespmem:$0x11000] =	vst v1  }
0x12: {  	[tilespmem:$0x11010] =	vst v1  }
0x13: {  	[tilespmem:$0x11020] =	vst v1  }
0x14: {  	[tilespmem:$0x11030] =	vst v1  }
0x15: {  	[tilespmem:$0x11040] =	vst v1  }
0x16: {  	[tilespmem:$0x11050] =	vst v1  }
0x17: {  	[tilespmem:$0x11060] =	vst v1  }
0x18: {  	s12 =	simm.s32 $0x0;
	[tilespmem:$0x11070] =	vst v1  }
0x19: {  	[tilespmem:s7], [sflag:$0x2] =	stream.linear.gather [hbm4b:s4+s12], $0x1000, $0x38;
	[tilespmem:$0x11080] =	vst v63  }
0x1a: {  	_ =	swait.ge [sflag:s8], $0x1000  }
0x1b: {  	[sflag:s8] =	ssyncset.done $0x0  }
0x1c: {  	s31 =	sadd.s32 $0x0, s6;
	[sflag:s8] =	ssyncadd.s32 $0xFFFFF000  }
0x1d: {  	[hbm4b:s31+s12] =	stream.linear.scatter [tilespmem:s12], [sflag:$0x2], $0x10000, $0x38;
	[tilespmem:$0x11080] =	vst v63  }
0x1e: {  	_ =	swait.ge [sflag:s8], $0x10000  }
0x1f: {  	s13 =	simm.s32 $0x2000;
	[sflag:s8] =	ssyncset.done $0x0  }
.LBB2_4:
0x20: {  	s14 =	sadd.s32 s13, s6;
	[sflag:s8] =	ssyncadd.s32 $0xFFFF0000;
	p0 =	sne.s32 s13, $0x3E000  }
0x21: {  	[hbm4b:s14+s12] =	stream.linear.scatter [tilespmem:s12], [sflag:$0x2], $0x10000, $0x38;
	[tilespmem:$0x11080] =	vst v63  }
.Ltmp1:
0x22: {  	_ = 	snop;
	(pc) =	sbr.rel @p0 .LBB2_4-.Ltmp1, $4  }
0x23: {  	_ = 	snop  }
0x24: {  	s13 =	sadd.s32 $0x2000, s13  }
0x25: {  	_ =	swait.ge [sflag:s8], $0x10000  }
0x26: {  	[sflag:s8] =	ssyncset.done $0x0  }
0x27: {  	[sflag:s8] =	ssyncadd.s32 $0xFFFF0000;
	s12 =	simm.s32 $0x10000  }
0x28: {  	[hbm4b:s1+s9] =	stream.indirect.scatter [tilespmem:s10], [sflag:$0x1], $0x1, s12, s9, $0xb8;
	[tilespmem:$0x11080] =	vst v63  }
0x29: {  	s12 =	simm.s32 $0x200;
	_ =	swait.ge [sflag:s11], $0x80  }
.LBB2_6:
0x2a: {  	s13 =	sshra.s32 s12, $0x2;
	[sflag:s11] =	ssyncset.done $0x0;
	p0 =	sne.s32 s12, $0x3E00  }
.Ltmp2:
0x2b: {  	s13 =	sadd.s32 $0x10000, s13;
	[sflag:s11] =	ssyncadd.s32 $0xFFFFFF80;
	(pc) =	sbr.rel @p0 .LBB2_6-.Ltmp2, $3  }
0x2c: {  	[hbm4b:s1+s9] =	stream.indirect.scatter [tilespmem:s10], [sflag:$0x1], $0x1, s13, s9, $0xb8;
	[tilespmem:$0x11080] =	vst v63  }
0x2d: {  	s12 =	sadd.s32 $0x200, s12;
	_ =	sdelay $0x1  }
0x2e: {  	_ =	swait.ge [sflag:s11], $0x80  }
0x2f: {  	s3 =	sadd.s32 $0x1, s3  }
0x30: {  	p0 =	sne.s32 s3, s5  }
.Ltmp3:
0x31: {  	_ = 	snop;
	(pc) =	sbr.rel @p0 .LBB2_1-.Ltmp3, $3  }
0x32: {  	_ =	sdelay $0x1  }
0x33: {  	[sflag:s11] =	ssyncset.done $0x0  }
0x34: {  	[sflag:s11] =	ssyncadd.s32 $0xFFFFFF80  }
0x35: {  	_ =	sfence.sel $0x180000  }
0x36: {  	[bflag:$0x0] =	sbarrier.arrive $0xFFFF  }
0x37: {  	p0 =	sne.s32 s2, $0x0;
	_ =	strace $0x90000047  }
0x38: {  	s0 =	sadd.s32 @!p0 $0x100000, s0;
	[bflag:$0x2] =	sbarrier.arrive $0xFFFF  }
0x39: {  	[sflag:s0] =	ssyncadd.tile.s32 @!p0 $0x1;
	_ =	shalt  }
.Lfunc_end2:
_tile_overlayer_lowered:
.L_overlay_start_2:
0x3a: {  	(tag) =	ssettag $0x2  }
0x3b: {  	s0 =	rddreg [dreg:$0x0];
	s2 =	stileid.u32  }
0x3c: {  	s1 =	rddreg [dreg:$0x1];
	p0 =	sne.s32 s2, $0x0  }
0x3d: {  	s3 =	rddreg [dreg:$0x2];
	[bflag:$0x3] =	sbarrier.arrive $0xFFFF;
	s2 =	simm.s32 @!p0 $0x1C02  }
0x3e: {  	[timem:s3], [sflag:s2] =	dma.local @!p0 [hbm:s0], s1  }
0x3f: {  	s0 =	simm.s32 @!p0 $0x2  }
0x40: {  	_ =	swait.ge @!p0 [sflag:s0], s1  }
0x41: {  	s1 =	ssub.s32 @!p0 $0x0, s1;
	[sflag:s0] =	ssyncset.done @!p0 $0x0  }
0x42: {  	[sflag:s0] =	ssyncadd.s32 @!p0 s1  }
0x43: {  	[bflag:$0x3] =	sbarrier.arrive $0xFFFF  }
0x44: {  	_ =	shalt  }

</sc_bundles>
